<compile_context>
chip_gen: v7x
topology: tpu7x:2x2x1
jax: 0.10.2.dev20260603
libtpu: 0.0.44.dev20260713+nightly
codegen_flags: <defaults>
</compile_context>

<pallas_src>
import functools

import jax
import jax.numpy as jnp
from jax import lax
from jax.experimental import pallas as pl
from jax.experimental.pallas import tpu as pltpu
from jax.experimental.pallas import tpu_sc as plsc

_NE = 2048
_NB_A = 1024
_NB_C = 256
_L = 16
_UNROLL = 8

_f32 = jnp.float32
_HIGH = lax.Precision.HIGHEST


def _hist_body(es_hbm, ed_hbm, ef_hbm, a_out, c_out,
               es_v, ed_v, ef_v, acc_a, acc_c, sem0, sem1, sem2):
    cid = lax.axis_index("c")
    sid = lax.axis_index("s")
    lane = lax.iota(jnp.int32, _L)
    ones = jnp.ones((_L,), _f32)
    zeros = jnp.zeros((_L,), _f32)

    @pl.when(jnp.logical_and(cid == 0, sid == 0))
    def _():
        c0 = pltpu.async_copy(es_hbm, es_v, sem0)
        c1 = pltpu.async_copy(ed_hbm, ed_v, sem1)

        def zero_a(i, carry):
            for u in range(_UNROLL):
                acc_a[pl.ds((i * _UNROLL + u) * _L, _L)] = zeros
            return carry

        lax.fori_loop(0, _NB_A // _UNROLL, zero_a, 0)
        c0.wait()
        c1.wait()
        lane_a = lane * _NB_A

        def body_a(i, carry):
            for u in range(_UNROLL):
                off = (i * _UNROLL + u) * _L
                es = es_v[pl.ds(off, _L)]
                ed = ed_v[pl.ds(off, _L)]
                m = jnp.logical_and(es < 32, ed < 32)
                ia = jnp.where(m, ed * 32 + es, 0) + lane_a
                plsc.addupdate_scatter(acc_a, [ia], ones, mask=m)
            return carry

        lax.fori_loop(0, _NE // _L // _UNROLL, body_a, 0)
        pltpu.sync_copy(acc_a, a_out)

    @pl.when(jnp.logical_and(cid == 1, sid == 0))
    def _():
        c0 = pltpu.async_copy(es_hbm, es_v, sem0)
        c1 = pltpu.async_copy(ed_hbm, ed_v, sem1)
        c2 = pltpu.async_copy(ef_hbm, ef_v, sem2)

        def zero_c(i, carry):
            for u in range(_UNROLL):
                acc_c[pl.ds((i * _UNROLL + u) * _L, _L)] = zeros
            return carry

        lax.fori_loop(0, _NB_C // _UNROLL, zero_c, 0)
        c0.wait()
        c1.wait()
        c2.wait()
        lane_c = lane * _NB_C

        def body_c(i, carry):
            for u in range(_UNROLL):
                off = (i * _UNROLL + u) * _L
                es = es_v[pl.ds(off, _L)]
                ed = ed_v[pl.ds(off, _L)]
                ef = ef_v[pl.ds(off, _L)]
                m = jnp.logical_and(es < 32, ed < 32)
                ic = jnp.where(m, ed * 8 + ef, 0) + lane_c
                plsc.addupdate_scatter(acc_c, [ic], ones, mask=m)
            return carry

        lax.fori_loop(0, _NE // _L // _UNROLL, body_c, 0)
        pltpu.sync_copy(acc_c, c_out)


@jax.jit
def _edge_hist(es, ed, ef):
    mesh = plsc.VectorSubcoreMesh(core_axis_name="c", subcore_axis_name="s")
    return pl.kernel(
        _hist_body,
        mesh=mesh,
        compiler_params=pltpu.CompilerParams(needs_layout_passes=False),
        out_type=[
            jax.ShapeDtypeStruct((_L * _NB_A,), _f32),
            jax.ShapeDtypeStruct((_L * _NB_C,), _f32),
        ],
        scratch_types=[
            pltpu.VMEM((_NE,), jnp.int32),
            pltpu.VMEM((_NE,), jnp.int32),
            pltpu.VMEM((_NE,), jnp.int32),
            pltpu.VMEM((_L * _NB_A,), _f32),
            pltpu.VMEM((_L * _NB_C,), _f32),
            pltpu.SemaphoreType.DMA,
            pltpu.SemaphoreType.DMA,
            pltpu.SemaphoreType.DMA,
        ],
    )(es, ed, ef)


def _sigmoid(x):
    return 1.0 / (1.0 + jnp.exp(-x))


_DN_T = (((1,), (1,)), ((), ()))
_DN_0 = (((0,), (0,)), ((), ()))


def _dense_head(h0_terms, A, C8, ef_ref, wih_ref, whh_ref, bih_ref,
                bhh_ref, ng_ref, nb_ref, w1_ref, b1_ref, g2_ref, bt2_ref,
                w2_ref, b2_ref, o_ref):
    h = h0_terms
    cnt = jnp.maximum(jnp.sum(A, axis=1, keepdims=True), 1.0)
    inv = 1.0 / cnt
    a_sc = A * inv
    b_sc = lax.dot_general(C8[:, 0:6], ef_ref[...], (((1,), (0,)), ((), ())),
                           precision=_HIGH) * inv
    wih = wih_ref[...]
    whh = whh_ref[...]
    bih = bih_ref[...]
    bhh = bhh_ref[...]
    ng = ng_ref[...]
    nb = nb_ref[...]
    bw = lax.dot_general(b_sc, wih, _DN_T, precision=_HIGH) + bih
    for _ in range(5):
        x1 = lax.dot_general(h, wih, _DN_T, precision=_HIGH)
        gh = lax.dot_general(h, whh, _DN_T, precision=_HIGH) + bhh
        gi = jnp.dot(a_sc, x1, precision=_HIGH) + bw
        r = _sigmoid(gi[:, 0:128] + gh[:, 0:128])
        z = _sigmoid(gi[:, 128:256] + gh[:, 128:256])
        n = jnp.tanh(gi[:, 256:384] + r * gh[:, 256:384])
        hn = (1.0 - z) * n + z * h
        mu = jnp.mean(hn, axis=1, keepdims=True)
        var = jnp.mean((hn - mu) ** 2, axis=1, keepdims=True)
        h = (hn - mu) * lax.rsqrt(var + 1e-5) * ng + nb
    hmean = jnp.mean(h, axis=0, keepdims=True)
    hmax = jnp.max(h, axis=0, keepdims=True)
    w1 = w1_ref[...]
    x = (lax.dot_general(hmean, w1[:, 0:128], _DN_T, precision=_HIGH)
         + lax.dot_general(hmax, w1[:, 128:256], _DN_T, precision=_HIGH)
         + b1_ref[...])
    mu = jnp.mean(x, axis=1, keepdims=True)
    var = jnp.mean((x - mu) ** 2, axis=1, keepdims=True)
    x = (x - mu) * lax.rsqrt(var + 1e-5) * g2_ref[...] + bt2_ref[...]
    x = jnp.maximum(x, 0.0)
    o_ref[...] = (jnp.sum(x * w2_ref[...], axis=1, keepdims=True)
                  + b2_ref[...])


def _h0(nt_ref, tr_ref, ne_ref, te_ref):
    oh_nt = (lax.broadcasted_iota(jnp.int32, (32, 20), 1) == nt_ref[...]
             ).astype(_f32)
    oh_tr = (lax.broadcasted_iota(jnp.int32, (32, 6), 1) == tr_ref[...]
             ).astype(_f32)
    return (jnp.dot(oh_nt, ne_ref[...], precision=_HIGH)
            + jnp.dot(oh_tr, te_ref[...], precision=_HIGH))


def _tc_body_full(es_ref, ed_ref, ef_ref, nt_ref, tr_ref, ne_ref, te_ref,
                  efw_ref, wih_ref, whh_ref, bih_ref, bhh_ref, ng_ref,
                  nb_ref, w1_ref, b1_ref, g2_ref, bt2_ref,
                  w2_ref, b2_ref, o_ref):
    es = es_ref[...]
    ed = ed_ref[...]
    ef = ef_ref[...]
    m = jnp.logical_and(es < 32, ed < 32)
    oh_ed = jnp.where(
        jnp.logical_and(lax.broadcasted_iota(jnp.int32, (2048, 32), 1) == ed,
                        m), 1.0, 0.0)
    oh_es = (lax.broadcasted_iota(jnp.int32, (2048, 32), 1) == es
             ).astype(_f32)
    oh_ef = (lax.broadcasted_iota(jnp.int32, (2048, 8), 1) == ef
             ).astype(_f32)
    A = lax.dot_general(oh_ed, oh_es, _DN_0)
    C8 = lax.dot_general(oh_ed, oh_ef, _DN_0)
    h0 = _h0(nt_ref, tr_ref, ne_ref, te_ref)
    _dense_head(h0, A, C8, efw_ref, wih_ref, whh_ref, bih_ref, bhh_ref,
                ng_ref, nb_ref, w1_ref, b1_ref, g2_ref, bt2_ref,
                w2_ref, b2_ref, o_ref)


_tc_forward_full = pl.pallas_call(
    _tc_body_full,
    out_shape=jax.ShapeDtypeStruct((1, 1), _f32),
)


def _kernel_tc_only(nt, tr, es, ed, ef, ne_w, te_w, ef_w, w_ih, w_hh,
                    b_ih, b_hh, ng, nb, W1, b1, g2, bt2, W2, b2):
    out = _tc_forward_full(
        es.astype(jnp.int32).reshape(2048, 1),
        ed.astype(jnp.int32).reshape(2048, 1),
        ef.astype(jnp.int32).reshape(2048, 1),
        nt.astype(jnp.int32).reshape(32, 1),
        tr.astype(jnp.int32).reshape(32, 1),
        ne_w, te_w, ef_w,
        w_ih, w_hh,
        b_ih.reshape(1, 384), b_hh.reshape(1, 384),
        ng.reshape(1, 128), nb.reshape(1, 128),
        W1,
        b1.reshape(1, 128), g2.reshape(1, 128), bt2.reshape(1, 128),
        W2, b2.reshape(1, 1),
    )
    return out.reshape(())


def _tc_body(nt_ref, tr_ref, aacc_ref, cacc_ref, ne_ref, te_ref, efw_ref,
             wih_ref, whh_ref, bih_ref, bhh_ref, ng_ref, nb_ref,
             w1_ref, b1_ref, g2_ref, bt2_ref, w2_ref, b2_ref,
             o_ref):
    rmod = jnp.bitwise_and(lax.broadcasted_iota(jnp.int32, (32, 512), 1), 31)
    p = (rmod == lax.broadcasted_iota(jnp.int32, (32, 512), 0)).astype(_f32)
    A = jnp.dot(p, aacc_ref[...])
    C8 = jnp.dot(p, cacc_ref[...])
    h0 = _h0(nt_ref, tr_ref, ne_ref, te_ref)
    _dense_head(h0, A, C8, efw_ref, wih_ref, whh_ref, bih_ref, bhh_ref,
                ng_ref, nb_ref, w1_ref, b1_ref, g2_ref, bt2_ref,
                w2_ref, b2_ref, o_ref)


_tc_forward = pl.pallas_call(
    _tc_body,
    out_shape=jax.ShapeDtypeStruct((1, 1), _f32),
)


def _triv_body(b2_ref, o_ref):
    o_ref[...] = b2_ref[...] * 2.0


_triv = pl.pallas_call(_triv_body, out_shape=jax.ShapeDtypeStruct((1, 1), _f32))


def kernel(*args):
    return _kernel_sc(*args)


def _kernel_sc(nt, tr, es, ed, ef, ne_w, te_w, ef_w, w_ih, w_hh, b_ih, b_hh,
               ng, nb, W1, b1, g2, bt2, W2, b2):
    es = es.astype(jnp.int32)
    ed = ed.astype(jnp.int32)
    ef = ef.astype(jnp.int32)
    a_acc, c_acc = _edge_hist(es, ed, ef)
    out = _tc_forward(
        nt.astype(jnp.int32).reshape(32, 1),
        tr.astype(jnp.int32).reshape(32, 1),
        a_acc.reshape(512, 32), c_acc.reshape(512, 8),
        ne_w, te_w, ef_w,
        w_ih, w_hh,
        b_ih.reshape(1, 384), b_hh.reshape(1, 384),
        ng.reshape(1, 128), nb.reshape(1, 128),
        W1,
        b1.reshape(1, 128), g2.reshape(1, 128), bt2.reshape(1, 128),
        W2, b2.reshape(1, 1),
    )
    return out.reshape(())

# --- scband reference (transcript-rebuilt; emitter-appended) ---
"""Pipeline reference for scband-detector-30846455120227 (READ-ONLY COPY).

The authoritative reference and input builder live on the scoring server;
editing this copy changes nothing except your own understanding.
"""

import jax, jax.numpy as jnp
import numpy as np

DIM = 128
N_NODES = 32
N_EDGES = 2048


def setup_inputs(seed: int = 0):
    key = jax.random.key(seed)
    ks = jax.random.split(key, 16)
    s = 0.05
    nt = jax.random.randint(ks[0], (N_NODES,), 0, 20)
    tr = jax.random.randint(ks[1], (N_NODES,), 0, 6)
    es = jax.random.randint(ks[2], (N_EDGES,), 0, 32)
    ed = jax.random.randint(ks[3], (N_EDGES,), 0, 32)
    ef = jax.random.randint(ks[4], (N_EDGES,), 0, 6)
    ne_w = jax.random.normal(ks[5], (20, DIM), dtype=jnp.float32)
    te_w = jax.random.normal(ks[6], (6, DIM), dtype=jnp.float32)
    ef_w = jax.random.normal(ks[7], (6, DIM), dtype=jnp.float32)
    w_ih = jax.random.normal(ks[8], (3 * DIM, DIM), dtype=jnp.float32) * s
    w_hh = jax.random.normal(ks[9], (3 * DIM, DIM), dtype=jnp.float32) * s
    b_ih = jax.random.normal(ks[10], (3 * DIM,), dtype=jnp.float32) * s
    b_hh = jax.random.normal(ks[11], (3 * DIM,), dtype=jnp.float32) * s
    ng = jnp.ones((DIM,), dtype=jnp.float32)
    nb = jnp.zeros((DIM,), dtype=jnp.float32)
    W1 = jax.random.normal(ks[12], (DIM, 2 * DIM), dtype=jnp.float32) * s
    b1 = jnp.zeros((DIM,), dtype=jnp.float32)
    g2 = jnp.ones((DIM,), dtype=jnp.float32)
    bt2 = jnp.zeros((DIM,), dtype=jnp.float32)
    W2 = jax.random.normal(ks[13], (1, DIM), dtype=jnp.float32) * s
    b2 = jnp.zeros((1,), dtype=jnp.float32)
    return {
        'nt': nt, 'tr': tr, 'es': es, 'ed': ed, 'ef': ef,
        'ne_w': ne_w, 'te_w': te_w, 'ef_w': ef_w,
        'w_ih': w_ih, 'w_hh': w_hh, 'b_ih': b_ih, 'b_hh': b_hh,
        'ng': ng, 'nb': nb, 'W1': W1, 'b1': b1, 'g2': g2, 'bt2': bt2,
        'W2': W2, 'b2': b2,
    }


def _layernorm(x, g, b):
    mu = x.mean(-1, keepdims=True)
    var = ((x - mu) ** 2).mean(-1, keepdims=True)
    return (x - mu) / jnp.sqrt(var + 1e-5) * g + b


def reference(nt, tr, es, ed, ef, ne_w, te_w, ef_w, w_ih, w_hh, b_ih, b_hh, ng, nb, W1, b1, g2, bt2, W2, b2):
    h = ne_w[nt] + te_w[tr]
    edge_feat = ef_w[ef]
    mask = (ed < 32) & (es < 32)
    maskf = mask.astype(jnp.float32)
    ed_safe = jnp.where(mask, ed, 0)
    es_safe = jnp.where(mask, es, 0)
    for _ in range(5):
        vals = (h[es_safe] + edge_feat) * maskf[:, None]
        agg = jnp.zeros_like(h).at[ed_safe].add(vals)
        cnt = jnp.zeros((32,), dtype=jnp.float32).at[ed_safe].add(maskf)
        cnt = jnp.clip(cnt, 1.0, None)[:, None]
        agg = agg / cnt
        gi = agg @ w_ih.T + b_ih
        gh = h @ w_hh.T + b_hh
        i_r, i_z, i_n = jnp.split(gi, 3, axis=-1)
        h_r, h_z, h_n = jnp.split(gh, 3, axis=-1)
        r = jax.nn.sigmoid(i_r + h_r)
        z = jax.nn.sigmoid(i_z + h_z)
        n = jnp.tanh(i_n + r * h_n)
        hn = (1.0 - z) * n + z * h
        h = _layernorm(hn, ng, nb)
    pooled = jnp.concatenate([h.mean(0), h.max(0)], axis=-1)
    x = pooled @ W1.T + b1
    x = _layernorm(x, g2, bt2)
    x = jax.nn.relu(x)
    out = x @ W2.T + b2
    return out.squeeze(-1)

if __name__ == "__main__":
    import jax
    _d = setup_inputs()
    print(jax.jit(kernel)(*tuple(_d.values())))

</pallas_src>

<mosaic_0001>
#map = affine_map<(d0, d1) -> (0)>
module attributes {stable_mosaic.version = 14 : i64} {
  func.func @_hist_body(%arg0: i32, %arg1: i32, %arg2: memref<2048xi32, #tpu.memory_space<hbm>>, %arg3: memref<2048xi32, #tpu.memory_space<hbm>>, %arg4: memref<2048xi32, #tpu.memory_space<hbm>>, %arg5: memref<16384xf32, #tpu.memory_space<hbm>>, %arg6: memref<4096xf32, #tpu.memory_space<hbm>>, %arg7: memref<2048xi32, #tpu.memory_space<vmem>>, %arg8: memref<2048xi32, #tpu.memory_space<vmem>>, %arg9: memref<2048xi32, #tpu.memory_space<vmem>>, %arg10: memref<16384xf32, #tpu.memory_space<vmem>>, %arg11: memref<4096xf32, #tpu.memory_space<vmem>>, %arg12: memref<!tpu.dma_semaphore, #tpu.memory_space<semaphore_mem>>, %arg13: memref<!tpu.dma_semaphore, #tpu.memory_space<semaphore_mem>>, %arg14: memref<!tpu.dma_semaphore, #tpu.memory_space<semaphore_mem>>) attributes {dimension_semantics = [#tpu.dimension_semantics<core_parallel>, #tpu.dimension_semantics<subcore_parallel>], iteration_bounds = array<i64: 2, 16>, scalar_prefetch = 0 : i64, scratch_operands = 8 : i64, tpu.core_type = #tpu.core_type<sc_vector_subcore>, window_params = [{transform_indices = #map}, {transform_indices = #map}, {transform_indices = #map}, {transform_indices = #map}, {transform_indices = #map}]} {
    %iota3A = tpu.iota {dimensions = array<i32: 0>} : vector<16xi32>
    %broadcast_in_dim3A = arith.constant 1.000000e+00 : f32
    %broadcast_in_dim3A_0 = vector.broadcast %broadcast_in_dim3A : f32 to vector<16xf32>
    %broadcast_in_dim3A_1 = arith.constant 0.000000e+00 : f32
    %broadcast_in_dim3A_2 = vector.broadcast %broadcast_in_dim3A_1 : f32 to vector<16xf32>
    %eq3A = arith.constant 0 : i32
    %eq3A_3 = arith.cmpi eq, %arg0, %eq3A : i32
    %eq3A_4 = arith.constant 0 : i32
    %eq3A_5 = arith.cmpi eq, %arg1, %eq3A_4 : i32
    %and3A = arith.andi %eq3A_3, %eq3A_5 : i1
    %convert_element_type3A = arith.extui %and3A : i1 to i32
    %cond3A = arith.constant 0 : i32
    %cond3A_6 = arith.cmpi ne, %convert_element_type3A, %cond3A : i32
    scf.if %cond3A_6 {
      tpu.enqueue_dma source(%arg2 : memref<2048xi32, #tpu.memory_space<hbm>>) target(%arg7 : memref<2048xi32, #tpu.memory_space<vmem>>) target_semaphore(%arg12 : memref<!tpu.dma_semaphore, #tpu.memory_space<semaphore_mem>>)
      tpu.enqueue_dma source(%arg3 : memref<2048xi32, #tpu.memory_space<hbm>>) target(%arg8 : memref<2048xi32, #tpu.memory_space<vmem>>) target_semaphore(%arg13 : memref<!tpu.dma_semaphore, #tpu.memory_space<semaphore_mem>>)
      %scan3A = arith.constant 0 : i32
      %scan3A_15 = arith.constant 0 : i32
      %scan3A_16 = arith.constant 128 : i32
      %scan3A_17 = arith.addi %scan3A_15, %scan3A_16 : i32
      %scan3A_18 = arith.constant 1 : i32
      scf.for %scan3A_28 = %scan3A_15 to %scan3A_17 step %scan3A_18  : i32 {
        %mul3A_29 = arith.constant 8 : i32
        %mul3A_30 = arith.muli %scan3A_28, %mul3A_29 : i32
        %add3A = arith.constant 0 : i32
        %add3A_31 = arith.addi %mul3A_30, %add3A : i32
        %mul3A_32 = arith.constant 16 : i32
        %mul3A_33 = arith.muli %add3A_31, %mul3A_32 : i32
        %swap3A = arith.index_cast %mul3A_33 : i32 to index
        %swap3A_34 = tpu.vector_load %arg10[%swap3A] {strides = array<i32>} : memref<16384xf32, #tpu.memory_space<vmem>>, vector<16xf32>,
        tpu.vector_store %arg10[%swap3A], %broadcast_in_dim3A_2 {strides = array<i32>} : memref<16384xf32, #tpu.memory_space<vmem>>, vector<16xf32>,
        %mul3A_35 = arith.constant 8 : i32
        %mul3A_36 = arith.muli %scan3A_28, %mul3A_35 : i32
        %add3A_37 = arith.constant 1 : i32
        %add3A_38 = arith.addi %mul3A_36, %add3A_37 : i32
        %mul3A_39 = arith.constant 16 : i32
        %mul3A_40 = arith.muli %add3A_38, %mul3A_39 : i32
        %swap3A_41 = arith.index_cast %mul3A_40 : i32 to index
        %swap3A_42 = tpu.vector_load %arg10[%swap3A_41] {strides = array<i32>} : memref<16384xf32, #tpu.memory_space<vmem>>, vector<16xf32>,
        tpu.vector_store %arg10[%swap3A_41], %broadcast_in_dim3A_2 {strides = array<i32>} : memref<16384xf32, #tpu.memory_space<vmem>>, vector<16xf32>,
        %mul3A_43 = arith.constant 8 : i32
        %mul3A_44 = arith.muli %scan3A_28, %mul3A_43 : i32
        %add3A_45 = arith.constant 2 : i32
        %add3A_46 = arith.addi %mul3A_44, %add3A_45 : i32
        %mul3A_47 = arith.constant 16 : i32
        %mul3A_48 = arith.muli %add3A_46, %mul3A_47 : i32
        %swap3A_49 = arith.index_cast %mul3A_48 : i32 to index
        %swap3A_50 = tpu.vector_load %arg10[%swap3A_49] {strides = array<i32>} : memref<16384xf32, #tpu.memory_space<vmem>>, vector<16xf32>,
        tpu.vector_store %arg10[%swap3A_49], %broadcast_in_dim3A_2 {strides = array<i32>} : memref<16384xf32, #tpu.memory_space<vmem>>, vector<16xf32>,
        %mul3A_51 = arith.constant 8 : i32
        %mul3A_52 = arith.muli %scan3A_28, %mul3A_51 : i32
        %add3A_53 = arith.constant 3 : i32
        %add3A_54 = arith.addi %mul3A_52, %add3A_53 : i32
        %mul3A_55 = arith.constant 16 : i32
        %mul3A_56 = arith.muli %add3A_54, %mul3A_55 : i32
        %swap3A_57 = arith.index_cast %mul3A_56 : i32 to index
        %swap3A_58 = tpu.vector_load %arg10[%swap3A_57] {strides = array<i32>} : memref<16384xf32, #tpu.memory_space<vmem>>, vector<16xf32>,
        tpu.vector_store %arg10[%swap3A_57], %broadcast_in_dim3A_2 {strides = array<i32>} : memref<16384xf32, #tpu.memory_space<vmem>>, vector<16xf32>,
        %mul3A_59 = arith.constant 8 : i32
        %mul3A_60 = arith.muli %scan3A_28, %mul3A_59 : i32
        %add3A_61 = arith.constant 4 : i32
        %add3A_62 = arith.addi %mul3A_60, %add3A_61 : i32
        %mul3A_63 = arith.constant 16 : i32
        %mul3A_64 = arith.muli %add3A_62, %mul3A_63 : i32
        %swap3A_65 = arith.index_cast %mul3A_64 : i32 to index
        %swap3A_66 = tpu.vector_load %arg10[%swap3A_65] {strides = array<i32>} : memref<16384xf32, #tpu.memory_space<vmem>>, vector<16xf32>,
        tpu.vector_store %arg10[%swap3A_65], %broadcast_in_dim3A_2 {strides = array<i32>} : memref<16384xf32, #tpu.memory_space<vmem>>, vector<16xf32>,
        %mul3A_67 = arith.constant 8 : i32
        %mul3A_68 = arith.muli %scan3A_28, %mul3A_67 : i32
        %add3A_69 = arith.constant 5 : i32
        %add3A_70 = arith.addi %mul3A_68, %add3A_69 : i32
        %mul3A_71 = arith.constant 16 : i32
        %mul3A_72 = arith.muli %add3A_70, %mul3A_71 : i32
        %swap3A_73 = arith.index_cast %mul3A_72 : i32 to index
        %swap3A_74 = tpu.vector_load %arg10[%swap3A_73] {strides = array<i32>} : memref<16384xf32, #tpu.memory_space<vmem>>, vector<16xf32>,
        tpu.vector_store %arg10[%swap3A_73], %broadcast_in_dim3A_2 {strides = array<i32>} : memref<16384xf32, #tpu.memory_space<vmem>>, vector<16xf32>,
        %mul3A_75 = arith.constant 8 : i32
        %mul3A_76 = arith.muli %scan3A_28, %mul3A_75 : i32
        %add3A_77 = arith.constant 6 : i32
        %add3A_78 = arith.addi %mul3A_76, %add3A_77 : i32
        %mul3A_79 = arith.constant 16 : i32
        %mul3A_80 = arith.muli %add3A_78, %mul3A_79 : i32
        %swap3A_81 = arith.index_cast %mul3A_80 : i32 to index
        %swap3A_82 = tpu.vector_load %arg10[%swap3A_81] {strides = array<i32>} : memref<16384xf32, #tpu.memory_space<vmem>>, vector<16xf32>,
        tpu.vector_store %arg10[%swap3A_81], %broadcast_in_dim3A_2 {strides = array<i32>} : memref<16384xf32, #tpu.memory_space<vmem>>, vector<16xf32>,
        %mul3A_83 = arith.constant 8 : i32
        %mul3A_84 = arith.muli %scan3A_28, %mul3A_83 : i32
        %add3A_85 = arith.constant 7 : i32
        %add3A_86 = arith.addi %mul3A_84, %add3A_85 : i32
        %mul3A_87 = arith.constant 16 : i32
        %mul3A_88 = arith.muli %add3A_86, %mul3A_87 : i32
        %swap3A_89 = arith.index_cast %mul3A_88 : i32 to index
        %swap3A_90 = tpu.vector_load %arg10[%swap3A_89] {strides = array<i32>} : memref<16384xf32, #tpu.memory_space<vmem>>, vector<16xf32>,
        tpu.vector_store %arg10[%swap3A_89], %broadcast_in_dim3A_2 {strides = array<i32>} : memref<16384xf32, #tpu.memory_space<vmem>>, vector<16xf32>,
      }
      %scan3A_19 = arith.constant 128 : i32
      tpu.wait_dma2 semaphore(%arg12 : memref<!tpu.dma_semaphore, #tpu.memory_space<semaphore_mem>>) src(%arg2 : memref<2048xi32, #tpu.memory_space<hbm>>) dst(%arg7 : memref<2048xi32, #tpu.memory_space<vmem>>)
      tpu.wait_dma2 semaphore(%arg13 : memref<!tpu.dma_semaphore, #tpu.memory_space<semaphore_mem>>) src(%arg3 : memref<2048xi32, #tpu.memory_space<hbm>>) dst(%arg8 : memref<2048xi32, #tpu.memory_space<vmem>>)
      %mul3A = arith.constant 1024 : i32
      %mul3A_20 = vector.broadcast %mul3A : i32 to vector<16xi32>
      %mul3A_21 = arith.muli %iota3A, %mul3A_20 : vector<16xi32>
      %scan3A_22 = arith.constant 0 : i32
      %scan3A_23 = arith.constant 0 : i32
      %scan3A_24 = arith.constant 16 : i32
      %scan3A_25 = arith.addi %scan3A_23, %scan3A_24 : i32
      %scan3A_26 = arith.constant 1 : i32
      scf.for %scan3A_28 = %scan3A_23 to %scan3A_25 step %scan3A_26  : i32 {
        %mul3A_29 = arith.constant 8 : i32
        %mul3A_30 = arith.muli %scan3A_28, %mul3A_29 : i32
        %add3A = arith.constant 0 : i32
        %add3A_31 = arith.addi %mul3A_30, %add3A : i32
        %mul3A_32 = arith.constant 16 : i32
        %mul3A_33 = arith.muli %add3A_31, %mul3A_32 : i32
        %get3A = arith.index_cast %mul3A_33 : i32 to index
        %get3A_34 = tpu.vector_load %arg7[%get3A] {strides = array<i32>} : memref<2048xi32, #tpu.memory_space<vmem>>, vector<16xi32>,
        %get3A_35 = arith.index_cast %mul3A_33 : i32 to index
        %get3A_36 = tpu.vector_load %arg8[%get3A_35] {strides = array<i32>} : memref<2048xi32, #tpu.memory_space<vmem>>, vector<16xi32>,
        %lt3A = arith.constant 32 : i32
        %lt3A_37 = vector.broadcast %lt3A : i32 to vector<16xi32>
        %lt3A_38 = arith.cmpi slt, %get3A_34, %lt3A_37 : vector<16xi32>
        %lt3A_39 = arith.constant 32 : i32
        %lt3A_40 = vector.broadcast %lt3A_39 : i32 to vector<16xi32>
        %lt3A_41 = arith.cmpi slt, %get3A_36, %lt3A_40 : vector<16xi32>
        %and3A_42 = arith.andi %lt3A_38, %lt3A_41 : vector<16xi1>
        %mul3A_43 = arith.constant 32 : i32
        %mul3A_44 = vector.broadcast %mul3A_43 : i32 to vector<16xi32>
        %mul3A_45 = arith.muli %get3A_36, %mul3A_44 : vector<16xi32>
        %add3A_46 = arith.addi %mul3A_45, %get3A_34 : vector<16xi32>
        %jit3A = arith.constant 0 : i32
        %broadcast_in_dim3A_47 = vector.broadcast %jit3A : i32 to vector<16xi32>
        %select_n3A = arith.select %and3A_42, %add3A_46, %broadcast_in_dim3A_47 : vector<16xi1>, vector<16xi32>
        %add3A_48 = arith.addi %select_n3A, %mul3A_21 : vector<16xi32>
        tpu.vector_store_idx %arg10[%add3A_48], %broadcast_in_dim3A_0 masked %and3A_42 {add = true} : memref<16384xf32, #tpu.memory_space<vmem>>[vector<16xi32>], vector<16xf32>, vector<16xi1>
        %mul3A_49 = arith.constant 8 : i32
        %mul3A_50 = arith.muli %scan3A_28, %mul3A_49 : i32
        %add3A_51 = arith.constant 1 : i32
        %add3A_52 = arith.addi %mul3A_50, %add3A_51 : i32
        %mul3A_53 = arith.constant 16 : i32
        %mul3A_54 = arith.muli %add3A_52, %mul3A_53 : i32
        %get3A_55 = arith.index_cast %mul3A_54 : i32 to index
        %get3A_56 = tpu.vector_load %arg7[%get3A_55] {strides = array<i32>} : memref<2048xi32, #tpu.memory_space<vmem>>, vector<16xi32>,
        %get3A_57 = arith.index_cast %mul3A_54 : i32 to index
        %get3A_58 = tpu.vector_load %arg8[%get3A_57] {strides = array<i32>} : memref<2048xi32, #tpu.memory_space<vmem>>, vector<16xi32>,
        %lt3A_59 = arith.constant 32 : i32
        %lt3A_60 = vector.broadcast %lt3A_59 : i32 to vector<16xi32>
        %lt3A_61 = arith.cmpi slt, %get3A_56, %lt3A_60 : vector<16xi32>
        %lt3A_62 = arith.constant 32 : i32
        %lt3A_63 = vector.broadcast %lt3A_62 : i32 to vector<16xi32>
        %lt3A_64 = arith.cmpi slt, %get3A_58, %lt3A_63 : vector<16xi32>
        %and3A_65 = arith.andi %lt3A_61, %lt3A_64 : vector<16xi1>
        %mul3A_66 = arith.constant 32 : i32
        %mul3A_67 = vector.broadcast %mul3A_66 : i32 to vector<16xi32>
        %mul3A_68 = arith.muli %get3A_58, %mul3A_67 : vector<16xi32>
        %add3A_69 = arith.addi %mul3A_68, %get3A_56 : vector<16xi32>
        %jit3A_70 = arith.constant 0 : i32
        %broadcast_in_dim3A_71 = vector.broadcast %jit3A_70 : i32 to vector<16xi32>
        %select_n3A_72 = arith.select %and3A_65, %add3A_69, %broadcast_in_dim3A_71 : vector<16xi1>, vector<16xi32>
        %add3A_73 = arith.addi %select_n3A_72, %mul3A_21 : vector<16xi32>
        tpu.vector_store_idx %arg10[%add3A_73], %broadcast_in_dim3A_0 masked %and3A_65 {add = true} : memref<16384xf32, #tpu.memory_space<vmem>>[vector<16xi32>], vector<16xf32>, vector<16xi1>
        %mul3A_74 = arith.constant 8 : i32
        %mul3A_75 = arith.muli %scan3A_28, %mul3A_74 : i32
        %add3A_76 = arith.constant 2 : i32
        %add3A_77 = arith.addi %mul3A_75, %add3A_76 : i32
        %mul3A_78 = arith.constant 16 : i32
        %mul3A_79 = arith.muli %add3A_77, %mul3A_78 : i32
        %get3A_80 = arith.index_cast %mul3A_79 : i32 to index
        %get3A_81 = tpu.vector_load %arg7[%get3A_80] {strides = array<i32>} : memref<2048xi32, #tpu.memory_space<vmem>>, vector<16xi32>,
        %get3A_82 = arith.index_cast %mul3A_79 : i32 to index
        %get3A_83 = tpu.vector_load %arg8[%get3A_82] {strides = array<i32>} : memref<2048xi32, #tpu.memory_space<vmem>>, vector<16xi32>,
        %lt3A_84 = arith.constant 32 : i32
        %lt3A_85 = vector.broadcast %lt3A_84 : i32 to vector<16xi32>
        %lt3A_86 = arith.cmpi slt, %get3A_81, %lt3A_85 : vector<16xi32>
        %lt3A_87 = arith.constant 32 : i32
        %lt3A_88 = vector.broadcast %lt3A_87 : i32 to vector<16xi32>
        %lt3A_89 = arith.cmpi slt, %get3A_83, %lt3A_88 : vector<16xi32>
        %and3A_90 = arith.andi %lt3A_86, %lt3A_89 : vector<16xi1>
        %mul3A_91 = arith.constant 32 : i32
        %mul3A_92 = vector.broadcast %mul3A_91 : i32 to vector<16xi32>
        %mul3A_93 = arith.muli %get3A_83, %mul3A_92 : vector<16xi32>
        %add3A_94 = arith.addi %mul3A_93, %get3A_81 : vector<16xi32>
        %jit3A_95 = arith.constant 0 : i32
        %broadcast_in_dim3A_96 = vector.broadcast %jit3A_95 : i32 to vector<16xi32>
        %select_n3A_97 = arith.select %and3A_90, %add3A_94, %broadcast_in_dim3A_96 : vector<16xi1>, vector<16xi32>
        %add3A_98 = arith.addi %select_n3A_97, %mul3A_21 : vector<16xi32>
        tpu.vector_store_idx %arg10[%add3A_98], %broadcast_in_dim3A_0 masked %and3A_90 {add = true} : memref<16384xf32, #tpu.memory_space<vmem>>[vector<16xi32>], vector<16xf32>, vector<16xi1>
        %mul3A_99 = arith.constant 8 : i32
        %mul3A_100 = arith.muli %scan3A_28, %mul3A_99 : i32
        %add3A_101 = arith.constant 3 : i32
        %add3A_102 = arith.addi %mul3A_100, %add3A_101 : i32
        %mul3A_103 = arith.constant 16 : i32
        %mul3A_104 = arith.muli %add3A_102, %mul3A_103 : i32
        %get3A_105 = arith.index_cast %mul3A_104 : i32 to index
        %get3A_106 = tpu.vector_load %arg7[%get3A_105] {strides = array<i32>} : memref<2048xi32, #tpu.memory_space<vmem>>, vector<16xi32>,
        %get3A_107 = arith.index_cast %mul3A_104 : i32 to index
        %get3A_108 = tpu.vector_load %arg8[%get3A_107] {strides = array<i32>} : memref<2048xi32, #tpu.memory_space<vmem>>, vector<16xi32>,
        %lt3A_109 = arith.constant 32 : i32
        %lt3A_110 = vector.broadcast %lt3A_109 : i32 to vector<16xi32>
        %lt3A_111 = arith.cmpi slt, %get3A_106, %lt3A_110 : vector<16xi32>
        %lt3A_112 = arith.constant 32 : i32
        %lt3A_113 = vector.broadcast %lt3A_112 : i32 to vector<16xi32>
        %lt3A_114 = arith.cmpi slt, %get3A_108, %lt3A_113 : vector<16xi32>
        %and3A_115 = arith.andi %lt3A_111, %lt3A_114 : vector<16xi1>
        %mul3A_116 = arith.constant 32 : i32
        %mul3A_117 = vector.broadcast %mul3A_116 : i32 to vector<16xi32>
        %mul3A_118 = arith.muli %get3A_108, %mul3A_117 : vector<16xi32>
        %add3A_119 = arith.addi %mul3A_118, %get3A_106 : vector<16xi32>
        %jit3A_120 = arith.constant 0 : i32
        %broadcast_in_dim3A_121 = vector.broadcast %jit3A_120 : i32 to vector<16xi32>
        %select_n3A_122 = arith.select %and3A_115, %add3A_119, %broadcast_in_dim3A_121 : vector<16xi1>, vector<16xi32>
        %add3A_123 = arith.addi %select_n3A_122, %mul3A_21 : vector<16xi32>
        tpu.vector_store_idx %arg10[%add3A_123], %broadcast_in_dim3A_0 masked %and3A_115 {add = true} : memref<16384xf32, #tpu.memory_space<vmem>>[vector<16xi32>], vector<16xf32>, vector<16xi1>
        %mul3A_124 = arith.constant 8 : i32
        %mul3A_125 = arith.muli %scan3A_28, %mul3A_124 : i32
        %add3A_126 = arith.constant 4 : i32
        %add3A_127 = arith.addi %mul3A_125, %add3A_126 : i32
        %mul3A_128 = arith.constant 16 : i32
        %mul3A_129 = arith.muli %add3A_127, %mul3A_128 : i32
        %get3A_130 = arith.index_cast %mul3A_129 : i32 to index
        %get3A_131 = tpu.vector_load %arg7[%get3A_130] {strides = array<i32>} : memref<2048xi32, #tpu.memory_space<vmem>>, vector<16xi32>,
        %get3A_132 = arith.index_cast %mul3A_129 : i32 to index
        %get3A_133 = tpu.vector_load %arg8[%get3A_132] {strides = array<i32>} : memref<2048xi32, #tpu.memory_space<vmem>>, vector<16xi32>,
        %lt3A_134 = arith.constant 32 : i32
        %lt3A_135 = vector.broadcast %lt3A_134 : i32 to vector<16xi32>
        %lt3A_136 = arith.cmpi slt, %get3A_131, %lt3A_135 : vector<16xi32>
        %lt3A_137 = arith.constant 32 : i32
        %lt3A_138 = vector.broadcast %lt3A_137 : i32 to vector<16xi32>
        %lt3A_139 = arith.cmpi slt, %get3A_133, %lt3A_138 : vector<16xi32>
        %and3A_140 = arith.andi %lt3A_136, %lt3A_139 : vector<16xi1>
        %mul3A_141 = arith.constant 32 : i32
        %mul3A_142 = vector.broadcast %mul3A_141 : i32 to vector<16xi32>
        %mul3A_143 = arith.muli %get3A_133, %mul3A_142 : vector<16xi32>
        %add3A_144 = arith.addi %mul3A_143, %get3A_131 : vector<16xi32>
        %jit3A_145 = arith.constant 0 : i32
        %broadcast_in_dim3A_146 = vector.broadcast %jit3A_145 : i32 to vector<16xi32>
        %select_n3A_147 = arith.select %and3A_140, %add3A_144, %broadcast_in_dim3A_146 : vector<16xi1>, vector<16xi32>
        %add3A_148 = arith.addi %select_n3A_147, %mul3A_21 : vector<16xi32>
        tpu.vector_store_idx %arg10[%add3A_148], %broadcast_in_dim3A_0 masked %and3A_140 {add = true} : memref<16384xf32, #tpu.memory_space<vmem>>[vector<16xi32>], vector<16xf32>, vector<16xi1>
        %mul3A_149 = arith.constant 8 : i32
        %mul3A_150 = arith.muli %scan3A_28, %mul3A_149 : i32
        %add3A_151 = arith.constant 5 : i32
        %add3A_152 = arith.addi %mul3A_150, %add3A_151 : i32
        %mul3A_153 = arith.constant 16 : i32
        %mul3A_154 = arith.muli %add3A_152, %mul3A_153 : i32
        %get3A_155 = arith.index_cast %mul3A_154 : i32 to index
        %get3A_156 = tpu.vector_load %arg7[%get3A_155] {strides = array<i32>} : memref<2048xi32, #tpu.memory_space<vmem>>, vector<16xi32>,
        %get3A_157 = arith.index_cast %mul3A_154 : i32 to index
        %get3A_158 = tpu.vector_load %arg8[%get3A_157] {strides = array<i32>} : memref<2048xi32, #tpu.memory_space<vmem>>, vector<16xi32>,
        %lt3A_159 = arith.constant 32 : i32
        %lt3A_160 = vector.broadcast %lt3A_159 : i32 to vector<16xi32>
        %lt3A_161 = arith.cmpi slt, %get3A_156, %lt3A_160 : vector<16xi32>
        %lt3A_162 = arith.constant 32 : i32
        %lt3A_163 = vector.broadcast %lt3A_162 : i32 to vector<16xi32>
        %lt3A_164 = arith.cmpi slt, %get3A_158, %lt3A_163 : vector<16xi32>
        %and3A_165 = arith.andi %lt3A_161, %lt3A_164 : vector<16xi1>
        %mul3A_166 = arith.constant 32 : i32
        %mul3A_167 = vector.broadcast %mul3A_166 : i32 to vector<16xi32>
        %mul3A_168 = arith.muli %get3A_158, %mul3A_167 : vector<16xi32>
        %add3A_169 = arith.addi %mul3A_168, %get3A_156 : vector<16xi32>
        %jit3A_170 = arith.constant 0 : i32
        %broadcast_in_dim3A_171 = vector.broadcast %jit3A_170 : i32 to vector<16xi32>
        %select_n3A_172 = arith.select %and3A_165, %add3A_169, %broadcast_in_dim3A_171 : vector<16xi1>, vector<16xi32>
        %add3A_173 = arith.addi %select_n3A_172, %mul3A_21 : vector<16xi32>
        tpu.vector_store_idx %arg10[%add3A_173], %broadcast_in_dim3A_0 masked %and3A_165 {add = true} : memref<16384xf32, #tpu.memory_space<vmem>>[vector<16xi32>], vector<16xf32>, vector<16xi1>
        %mul3A_174 = arith.constant 8 : i32
        %mul3A_175 = arith.muli %scan3A_28, %mul3A_174 : i32
        %add3A_176 = arith.constant 6 : i32
        %add3A_177 = arith.addi %mul3A_175, %add3A_176 : i32
        %mul3A_178 = arith.constant 16 : i32
        %mul3A_179 = arith.muli %add3A_177, %mul3A_178 : i32
        %get3A_180 = arith.index_cast %mul3A_179 : i32 to index
        %get3A_181 = tpu.vector_load %arg7[%get3A_180] {strides = array<i32>} : memref<2048xi32, #tpu.memory_space<vmem>>, vector<16xi32>,
        %get3A_182 = arith.index_cast %mul3A_179 : i32 to index
        %get3A_183 = tpu.vector_load %arg8[%get3A_182] {strides = array<i32>} : memref<2048xi32, #tpu.memory_space<vmem>>, vector<16xi32>,
        %lt3A_184 = arith.constant 32 : i32
        %lt3A_185 = vector.broadcast %lt3A_184 : i32 to vector<16xi32>
        %lt3A_186 = arith.cmpi slt, %get3A_181, %lt3A_185 : vector<16xi32>
        %lt3A_187 = arith.constant 32 : i32
        %lt3A_188 = vector.broadcast %lt3A_187 : i32 to vector<16xi32>
        %lt3A_189 = arith.cmpi slt, %get3A_183, %lt3A_188 : vector<16xi32>
        %and3A_190 = arith.andi %lt3A_186, %lt3A_189 : vector<16xi1>
        %mul3A_191 = arith.constant 32 : i32
        %mul3A_192 = vector.broadcast %mul3A_191 : i32 to vector<16xi32>
        %mul3A_193 = arith.muli %get3A_183, %mul3A_192 : vector<16xi32>
        %add3A_194 = arith.addi %mul3A_193, %get3A_181 : vector<16xi32>
        %jit3A_195 = arith.constant 0 : i32
        %broadcast_in_dim3A_196 = vector.broadcast %jit3A_195 : i32 to vector<16xi32>
        %select_n3A_197 = arith.select %and3A_190, %add3A_194, %broadcast_in_dim3A_196 : vector<16xi1>, vector<16xi32>
        %add3A_198 = arith.addi %select_n3A_197, %mul3A_21 : vector<16xi32>
        tpu.vector_store_idx %arg10[%add3A_198], %broadcast_in_dim3A_0 masked %and3A_190 {add = true} : memref<16384xf32, #tpu.memory_space<vmem>>[vector<16xi32>], vector<16xf32>, vector<16xi1>
        %mul3A_199 = arith.constant 8 : i32
        %mul3A_200 = arith.muli %scan3A_28, %mul3A_199 : i32
        %add3A_201 = arith.constant 7 : i32
        %add3A_202 = arith.addi %mul3A_200, %add3A_201 : i32
        %mul3A_203 = arith.constant 16 : i32
        %mul3A_204 = arith.muli %add3A_202, %mul3A_203 : i32
        %get3A_205 = arith.index_cast %mul3A_204 : i32 to index
        %get3A_206 = tpu.vector_load %arg7[%get3A_205] {strides = array<i32>} : memref<2048xi32, #tpu.memory_space<vmem>>, vector<16xi32>,
        %get3A_207 = arith.index_cast %mul3A_204 : i32 to index
        %get3A_208 = tpu.vector_load %arg8[%get3A_207] {strides = array<i32>} : memref<2048xi32, #tpu.memory_space<vmem>>, vector<16xi32>,
        %lt3A_209 = arith.constant 32 : i32
        %lt3A_210 = vector.broadcast %lt3A_209 : i32 to vector<16xi32>
        %lt3A_211 = arith.cmpi slt, %get3A_206, %lt3A_210 : vector<16xi32>
        %lt3A_212 = arith.constant 32 : i32
        %lt3A_213 = vector.broadcast %lt3A_212 : i32 to vector<16xi32>
        %lt3A_214 = arith.cmpi slt, %get3A_208, %lt3A_213 : vector<16xi32>
        %and3A_215 = arith.andi %lt3A_211, %lt3A_214 : vector<16xi1>
        %mul3A_216 = arith.constant 32 : i32
        %mul3A_217 = vector.broadcast %mul3A_216 : i32 to vector<16xi32>
        %mul3A_218 = arith.muli %get3A_208, %mul3A_217 : vector<16xi32>
        %add3A_219 = arith.addi %mul3A_218, %get3A_206 : vector<16xi32>
        %jit3A_220 = arith.constant 0 : i32
        %broadcast_in_dim3A_221 = vector.broadcast %jit3A_220 : i32 to vector<16xi32>
        %select_n3A_222 = arith.select %and3A_215, %add3A_219, %broadcast_in_dim3A_221 : vector<16xi1>, vector<16xi32>
        %add3A_223 = arith.addi %select_n3A_222, %mul3A_21 : vector<16xi32>
        tpu.vector_store_idx %arg10[%add3A_223], %broadcast_in_dim3A_0 masked %and3A_215 {add = true} : memref<16384xf32, #tpu.memory_space<vmem>>[vector<16xi32>], vector<16xf32>, vector<16xi1>
      }
      %scan3A_27 = arith.constant 16 : i32
      "tpu.region"() ({
        %run_scoped3A = tpu.sem_alloc : memref<!tpu.dma_semaphore, #tpu.memory_space<semaphore_mem>>
        tpu.enqueue_dma source(%arg10 : memref<16384xf32, #tpu.memory_space<vmem>>) target(%arg5 : memref<16384xf32, #tpu.memory_space<hbm>>) target_semaphore(%run_scoped3A : memref<!tpu.dma_semaphore, #tpu.memory_space<semaphore_mem>>)
        tpu.wait_dma2 semaphore(%run_scoped3A : memref<!tpu.dma_semaphore, #tpu.memory_space<semaphore_mem>>) src(%arg10 : memref<16384xf32, #tpu.memory_space<vmem>>) dst(%arg5 : memref<16384xf32, #tpu.memory_space<hbm>>)
        tpu.yield
      }) : () -> ()
    } else {
    }
    %eq3A_7 = arith.constant 1 : i32
    %eq3A_8 = arith.cmpi eq, %arg0, %eq3A_7 : i32
    %eq3A_9 = arith.constant 0 : i32
    %eq3A_10 = arith.cmpi eq, %arg1, %eq3A_9 : i32
    %and3A_11 = arith.andi %eq3A_8, %eq3A_10 : i1
    %convert_element_type3A_12 = arith.extui %and3A_11 : i1 to i32
    %cond3A_13 = arith.constant 0 : i32
    %cond3A_14 = arith.cmpi ne, %convert_element_type3A_12, %cond3A_13 : i32
    scf.if %cond3A_14 {
      tpu.enqueue_dma source(%arg2 : memref<2048xi32, #tpu.memory_space<hbm>>) target(%arg7 : memref<2048xi32, #tpu.memory_space<vmem>>) target_semaphore(%arg12 : memref<!tpu.dma_semaphore, #tpu.memory_space<semaphore_mem>>)
      tpu.enqueue_dma source(%arg3 : memref<2048xi32, #tpu.memory_space<hbm>>) target(%arg8 : memref<2048xi32, #tpu.memory_space<vmem>>) target_semaphore(%arg13 : memref<!tpu.dma_semaphore, #tpu.memory_space<semaphore_mem>>)
      tpu.enqueue_dma source(%arg4 : memref<2048xi32, #tpu.memory_space<hbm>>) target(%arg9 : memref<2048xi32, #tpu.memory_space<vmem>>) target_semaphore(%arg14 : memref<!tpu.dma_semaphore, #tpu.memory_space<semaphore_mem>>)
      %scan3A = arith.constant 0 : i32
      %scan3A_15 = arith.constant 0 : i32
      %scan3A_16 = arith.constant 32 : i32
      %scan3A_17 = arith.addi %scan3A_15, %scan3A_16 : i32
      %scan3A_18 = arith.constant 1 : i32
      scf.for %scan3A_28 = %scan3A_15 to %scan3A_17 step %scan3A_18  : i32 {
        %mul3A_29 = arith.constant 8 : i32
        %mul3A_30 = arith.muli %scan3A_28, %mul3A_29 : i32
        %add3A = arith.constant 0 : i32
        %add3A_31 = arith.addi %mul3A_30, %add3A : i32
        %mul3A_32 = arith.constant 16 : i32
        %mul3A_33 = arith.muli %add3A_31, %mul3A_32 : i32
        %swap3A = arith.index_cast %mul3A_33 : i32 to index
        %swap3A_34 = tpu.vector_load %arg11[%swap3A] {strides = array<i32>} : memref<4096xf32, #tpu.memory_space<vmem>>, vector<16xf32>,
        tpu.vector_store %arg11[%swap3A], %broadcast_in_dim3A_2 {strides = array<i32>} : memref<4096xf32, #tpu.memory_space<vmem>>, vector<16xf32>,
        %mul3A_35 = arith.constant 8 : i32
        %mul3A_36 = arith.muli %scan3A_28, %mul3A_35 : i32
        %add3A_37 = arith.constant 1 : i32
        %add3A_38 = arith.addi %mul3A_36, %add3A_37 : i32
        %mul3A_39 = arith.constant 16 : i32
        %mul3A_40 = arith.muli %add3A_38, %mul3A_39 : i32
        %swap3A_41 = arith.index_cast %mul3A_40 : i32 to index
        %swap3A_42 = tpu.vector_load %arg11[%swap3A_41] {strides = array<i32>} : memref<4096xf32, #tpu.memory_space<vmem>>, vector<16xf32>,
        tpu.vector_store %arg11[%swap3A_41], %broadcast_in_dim3A_2 {strides = array<i32>} : memref<4096xf32, #tpu.memory_space<vmem>>, vector<16xf32>,
        %mul3A_43 = arith.constant 8 : i32
        %mul3A_44 = arith.muli %scan3A_28, %mul3A_43 : i32
        %add3A_45 = arith.constant 2 : i32
        %add3A_46 = arith.addi %mul3A_44, %add3A_45 : i32
        %mul3A_47 = arith.constant 16 : i32
        %mul3A_48 = arith.muli %add3A_46, %mul3A_47 : i32
        %swap3A_49 = arith.index_cast %mul3A_48 : i32 to index
        %swap3A_50 = tpu.vector_load %arg11[%swap3A_49] {strides = array<i32>} : memref<4096xf32, #tpu.memory_space<vmem>>, vector<16xf32>,
        tpu.vector_store %arg11[%swap3A_49], %broadcast_in_dim3A_2 {strides = array<i32>} : memref<4096xf32, #tpu.memory_space<vmem>>, vector<16xf32>,
        %mul3A_51 = arith.constant 8 : i32
        %mul3A_52 = arith.muli %scan3A_28, %mul3A_51 : i32
        %add3A_53 = arith.constant 3 : i32
        %add3A_54 = arith.addi %mul3A_52, %add3A_53 : i32
        %mul3A_55 = arith.constant 16 : i32
        %mul3A_56 = arith.muli %add3A_54, %mul3A_55 : i32
        %swap3A_57 = arith.index_cast %mul3A_56 : i32 to index
        %swap3A_58 = tpu.vector_load %arg11[%swap3A_57] {strides = array<i32>} : memref<4096xf32, #tpu.memory_space<vmem>>, vector<16xf32>,
        tpu.vector_store %arg11[%swap3A_57], %broadcast_in_dim3A_2 {strides = array<i32>} : memref<4096xf32, #tpu.memory_space<vmem>>, vector<16xf32>,
        %mul3A_59 = arith.constant 8 : i32
        %mul3A_60 = arith.muli %scan3A_28, %mul3A_59 : i32
        %add3A_61 = arith.constant 4 : i32
        %add3A_62 = arith.addi %mul3A_60, %add3A_61 : i32
        %mul3A_63 = arith.constant 16 : i32
        %mul3A_64 = arith.muli %add3A_62, %mul3A_63 : i32
        %swap3A_65 = arith.index_cast %mul3A_64 : i32 to index
        %swap3A_66 = tpu.vector_load %arg11[%swap3A_65] {strides = array<i32>} : memref<4096xf32, #tpu.memory_space<vmem>>, vector<16xf32>,
        tpu.vector_store %arg11[%swap3A_65], %broadcast_in_dim3A_2 {strides = array<i32>} : memref<4096xf32, #tpu.memory_space<vmem>>, vector<16xf32>,
        %mul3A_67 = arith.constant 8 : i32
        %mul3A_68 = arith.muli %scan3A_28, %mul3A_67 : i32
        %add3A_69 = arith.constant 5 : i32
        %add3A_70 = arith.addi %mul3A_68, %add3A_69 : i32
        %mul3A_71 = arith.constant 16 : i32
        %mul3A_72 = arith.muli %add3A_70, %mul3A_71 : i32
        %swap3A_73 = arith.index_cast %mul3A_72 : i32 to index
        %swap3A_74 = tpu.vector_load %arg11[%swap3A_73] {strides = array<i32>} : memref<4096xf32, #tpu.memory_space<vmem>>, vector<16xf32>,
        tpu.vector_store %arg11[%swap3A_73], %broadcast_in_dim3A_2 {strides = array<i32>} : memref<4096xf32, #tpu.memory_space<vmem>>, vector<16xf32>,
        %mul3A_75 = arith.constant 8 : i32
        %mul3A_76 = arith.muli %scan3A_28, %mul3A_75 : i32
        %add3A_77 = arith.constant 6 : i32
        %add3A_78 = arith.addi %mul3A_76, %add3A_77 : i32
        %mul3A_79 = arith.constant 16 : i32
        %mul3A_80 = arith.muli %add3A_78, %mul3A_79 : i32
        %swap3A_81 = arith.index_cast %mul3A_80 : i32 to index
        %swap3A_82 = tpu.vector_load %arg11[%swap3A_81] {strides = array<i32>} : memref<4096xf32, #tpu.memory_space<vmem>>, vector<16xf32>,
        tpu.vector_store %arg11[%swap3A_81], %broadcast_in_dim3A_2 {strides = array<i32>} : memref<4096xf32, #tpu.memory_space<vmem>>, vector<16xf32>,
        %mul3A_83 = arith.constant 8 : i32
        %mul3A_84 = arith.muli %scan3A_28, %mul3A_83 : i32
        %add3A_85 = arith.constant 7 : i32
        %add3A_86 = arith.addi %mul3A_84, %add3A_85 : i32
        %mul3A_87 = arith.constant 16 : i32
        %mul3A_88 = arith.muli %add3A_86, %mul3A_87 : i32
        %swap3A_89 = arith.index_cast %mul3A_88 : i32 to index
        %swap3A_90 = tpu.vector_load %arg11[%swap3A_89] {strides = array<i32>} : memref<4096xf32, #tpu.memory_space<vmem>>, vector<16xf32>,
        tpu.vector_store %arg11[%swap3A_89], %broadcast_in_dim3A_2 {strides = array<i32>} : memref<4096xf32, #tpu.memory_space<vmem>>, vector<16xf32>,
      }
      %scan3A_19 = arith.constant 32 : i32
      tpu.wait_dma2 semaphore(%arg12 : memref<!tpu.dma_semaphore, #tpu.memory_space<semaphore_mem>>) src(%arg2 : memref<2048xi32, #tpu.memory_space<hbm>>) dst(%arg7 : memref<2048xi32, #tpu.memory_space<vmem>>)
      tpu.wait_dma2 semaphore(%arg13 : memref<!tpu.dma_semaphore, #tpu.memory_space<semaphore_mem>>) src(%arg3 : memref<2048xi32, #tpu.memory_space<hbm>>) dst(%arg8 : memref<2048xi32, #tpu.memory_space<vmem>>)
      tpu.wait_dma2 semaphore(%arg14 : memref<!tpu.dma_semaphore, #tpu.memory_space<semaphore_mem>>) src(%arg4 : memref<2048xi32, #tpu.memory_space<hbm>>) dst(%arg9 : memref<2048xi32, #tpu.memory_space<vmem>>)
      %mul3A = arith.constant 256 : i32
      %mul3A_20 = vector.broadcast %mul3A : i32 to vector<16xi32>
      %mul3A_21 = arith.muli %iota3A, %mul3A_20 : vector<16xi32>
      %scan3A_22 = arith.constant 0 : i32
      %scan3A_23 = arith.constant 0 : i32
      %scan3A_24 = arith.constant 16 : i32
      %scan3A_25 = arith.addi %scan3A_23, %scan3A_24 : i32
      %scan3A_26 = arith.constant 1 : i32
      scf.for %scan3A_28 = %scan3A_23 to %scan3A_25 step %scan3A_26  : i32 {
        %mul3A_29 = arith.constant 8 : i32
        %mul3A_30 = arith.muli %scan3A_28, %mul3A_29 : i32
        %add3A = arith.constant 0 : i32
        %add3A_31 = arith.addi %mul3A_30, %add3A : i32
        %mul3A_32 = arith.constant 16 : i32
        %mul3A_33 = arith.muli %add3A_31, %mul3A_32 : i32
        %get3A = arith.index_cast %mul3A_33 : i32 to index
        %get3A_34 = tpu.vector_load %arg7[%get3A] {strides = array<i32>} : memref<2048xi32, #tpu.memory_space<vmem>>, vector<16xi32>,
        %get3A_35 = arith.index_cast %mul3A_33 : i32 to index
        %get3A_36 = tpu.vector_load %arg8[%get3A_35] {strides = array<i32>} : memref<2048xi32, #tpu.memory_space<vmem>>, vector<16xi32>,
        %get3A_37 = arith.index_cast %mul3A_33 : i32 to index
        %get3A_38 = tpu.vector_load %arg9[%get3A_37] {strides = array<i32>} : memref<2048xi32, #tpu.memory_space<vmem>>, vector<16xi32>,
        %lt3A = arith.constant 32 : i32
        %lt3A_39 = vector.broadcast %lt3A : i32 to vector<16xi32>
        %lt3A_40 = arith.cmpi slt, %get3A_34, %lt3A_39 : vector<16xi32>
        %lt3A_41 = arith.constant 32 : i32
        %lt3A_42 = vector.broadcast %lt3A_41 : i32 to vector<16xi32>
        %lt3A_43 = arith.cmpi slt, %get3A_36, %lt3A_42 : vector<16xi32>
        %and3A_44 = arith.andi %lt3A_40, %lt3A_43 : vector<16xi1>
        %mul3A_45 = arith.constant 8 : i32
        %mul3A_46 = vector.broadcast %mul3A_45 : i32 to vector<16xi32>
        %mul3A_47 = arith.muli %get3A_36, %mul3A_46 : vector<16xi32>
        %add3A_48 = arith.addi %mul3A_47, %get3A_38 : vector<16xi32>
        %jit3A = arith.constant 0 : i32
        %broadcast_in_dim3A_49 = vector.broadcast %jit3A : i32 to vector<16xi32>
        %select_n3A = arith.select %and3A_44, %add3A_48, %broadcast_in_dim3A_49 : vector<16xi1>, vector<16xi32>
        %add3A_50 = arith.addi %select_n3A, %mul3A_21 : vector<16xi32>
        tpu.vector_store_idx %arg11[%add3A_50], %broadcast_in_dim3A_0 masked %and3A_44 {add = true} : memref<4096xf32, #tpu.memory_space<vmem>>[vector<16xi32>], vector<16xf32>, vector<16xi1>
        %mul3A_51 = arith.constant 8 : i32
        %mul3A_52 = arith.muli %scan3A_28, %mul3A_51 : i32
        %add3A_53 = arith.constant 1 : i32
        %add3A_54 = arith.addi %mul3A_52, %add3A_53 : i32
        %mul3A_55 = arith.constant 16 : i32
        %mul3A_56 = arith.muli %add3A_54, %mul3A_55 : i32
        %get3A_57 = arith.index_cast %mul3A_56 : i32 to index
        %get3A_58 = tpu.vector_load %arg7[%get3A_57] {strides = array<i32>} : memref<2048xi32, #tpu.memory_space<vmem>>, vector<16xi32>,
        %get3A_59 = arith.index_cast %mul3A_56 : i32 to index
        %get3A_60 = tpu.vector_load %arg8[%get3A_59] {strides = array<i32>} : memref<2048xi32, #tpu.memory_space<vmem>>, vector<16xi32>,
        %get3A_61 = arith.index_cast %mul3A_56 : i32 to index
        %get3A_62 = tpu.vector_load %arg9[%get3A_61] {strides = array<i32>} : memref<2048xi32, #tpu.memory_space<vmem>>, vector<16xi32>,
        %lt3A_63 = arith.constant 32 : i32
        %lt3A_64 = vector.broadcast %lt3A_63 : i32 to vector<16xi32>
        %lt3A_65 = arith.cmpi slt, %get3A_58, %lt3A_64 : vector<16xi32>
        %lt3A_66 = arith.constant 32 : i32
        %lt3A_67 = vector.broadcast %lt3A_66 : i32 to vector<16xi32>
        %lt3A_68 = arith.cmpi slt, %get3A_60, %lt3A_67 : vector<16xi32>
        %and3A_69 = arith.andi %lt3A_65, %lt3A_68 : vector<16xi1>
        %mul3A_70 = arith.constant 8 : i32
        %mul3A_71 = vector.broadcast %mul3A_70 : i32 to vector<16xi32>
        %mul3A_72 = arith.muli %get3A_60, %mul3A_71 : vector<16xi32>
        %add3A_73 = arith.addi %mul3A_72, %get3A_62 : vector<16xi32>
        %jit3A_74 = arith.constant 0 : i32
        %broadcast_in_dim3A_75 = vector.broadcast %jit3A_74 : i32 to vector<16xi32>
        %select_n3A_76 = arith.select %and3A_69, %add3A_73, %broadcast_in_dim3A_75 : vector<16xi1>, vector<16xi32>
        %add3A_77 = arith.addi %select_n3A_76, %mul3A_21 : vector<16xi32>
        tpu.vector_store_idx %arg11[%add3A_77], %broadcast_in_dim3A_0 masked %and3A_69 {add = true} : memref<4096xf32, #tpu.memory_space<vmem>>[vector<16xi32>], vector<16xf32>, vector<16xi1>
        %mul3A_78 = arith.constant 8 : i32
        %mul3A_79 = arith.muli %scan3A_28, %mul3A_78 : i32
        %add3A_80 = arith.constant 2 : i32
        %add3A_81 = arith.addi %mul3A_79, %add3A_80 : i32
        %mul3A_82 = arith.constant 16 : i32
        %mul3A_83 = arith.muli %add3A_81, %mul3A_82 : i32
        %get3A_84 = arith.index_cast %mul3A_83 : i32 to index
        %get3A_85 = tpu.vector_load %arg7[%get3A_84] {strides = array<i32>} : memref<2048xi32, #tpu.memory_space<vmem>>, vector<16xi32>,
        %get3A_86 = arith.index_cast %mul3A_83 : i32 to index
        %get3A_87 = tpu.vector_load %arg8[%get3A_86] {strides = array<i32>} : memref<2048xi32, #tpu.memory_space<vmem>>, vector<16xi32>,
        %get3A_88 = arith.index_cast %mul3A_83 : i32 to index
        %get3A_89 = tpu.vector_load %arg9[%get3A_88] {strides = array<i32>} : memref<2048xi32, #tpu.memory_space<vmem>>, vector<16xi32>,
        %lt3A_90 = arith.constant 32 : i32
        %lt3A_91 = vector.broadcast %lt3A_90 : i32 to vector<16xi32>
        %lt3A_92 = arith.cmpi slt, %get3A_85, %lt3A_91 : vector<16xi32>
        %lt3A_93 = arith.constant 32 : i32
        %lt3A_94 = vector.broadcast %lt3A_93 : i32 to vector<16xi32>
        %lt3A_95 = arith.cmpi slt, %get3A_87, %lt3A_94 : vector<16xi32>
        %and3A_96 = arith.andi %lt3A_92, %lt3A_95 : vector<16xi1>
        %mul3A_97 = arith.constant 8 : i32
        %mul3A_98 = vector.broadcast %mul3A_97 : i32 to vector<16xi32>
        %mul3A_99 = arith.muli %get3A_87, %mul3A_98 : vector<16xi32>
        %add3A_100 = arith.addi %mul3A_99, %get3A_89 : vector<16xi32>
        %jit3A_101 = arith.constant 0 : i32
        %broadcast_in_dim3A_102 = vector.broadcast %jit3A_101 : i32 to vector<16xi32>
        %select_n3A_103 = arith.select %and3A_96, %add3A_100, %broadcast_in_dim3A_102 : vector<16xi1>, vector<16xi32>
        %add3A_104 = arith.addi %select_n3A_103, %mul3A_21 : vector<16xi32>
        tpu.vector_store_idx %arg11[%add3A_104], %broadcast_in_dim3A_0 masked %and3A_96 {add = true} : memref<4096xf32, #tpu.memory_space<vmem>>[vector<16xi32>], vector<16xf32>, vector<16xi1>
        %mul3A_105 = arith.constant 8 : i32
        %mul3A_106 = arith.muli %scan3A_28, %mul3A_105 : i32
        %add3A_107 = arith.constant 3 : i32
        %add3A_108 = arith.addi %mul3A_106, %add3A_107 : i32
        %mul3A_109 = arith.constant 16 : i32
        %mul3A_110 = arith.muli %add3A_108, %mul3A_109 : i32
        %get3A_111 = arith.index_cast %mul3A_110 : i32 to index
        %get3A_112 = tpu.vector_load %arg7[%get3A_111] {strides = array<i32>} : memref<2048xi32, #tpu.memory_space<vmem>>, vector<16xi32>,
        %get3A_113 = arith.index_cast %mul3A_110 : i32 to index
        %get3A_114 = tpu.vector_load %arg8[%get3A_113] {strides = array<i32>} : memref<2048xi32, #tpu.memory_space<vmem>>, vector<16xi32>,
        %get3A_115 = arith.index_cast %mul3A_110 : i32 to index
        %get3A_116 = tpu.vector_load %arg9[%get3A_115] {strides = array<i32>} : memref<2048xi32, #tpu.memory_space<vmem>>, vector<16xi32>,
        %lt3A_117 = arith.constant 32 : i32
        %lt3A_118 = vector.broadcast %lt3A_117 : i32 to vector<16xi32>
        %lt3A_119 = arith.cmpi slt, %get3A_112, %lt3A_118 : vector<16xi32>
        %lt3A_120 = arith.constant 32 : i32
        %lt3A_121 = vector.broadcast %lt3A_120 : i32 to vector<16xi32>
        %lt3A_122 = arith.cmpi slt, %get3A_114, %lt3A_121 : vector<16xi32>
        %and3A_123 = arith.andi %lt3A_119, %lt3A_122 : vector<16xi1>
        %mul3A_124 = arith.constant 8 : i32
        %mul3A_125 = vector.broadcast %mul3A_124 : i32 to vector<16xi32>
        %mul3A_126 = arith.muli %get3A_114, %mul3A_125 : vector<16xi32>
        %add3A_127 = arith.addi %mul3A_126, %get3A_116 : vector<16xi32>
        %jit3A_128 = arith.constant 0 : i32
        %broadcast_in_dim3A_129 = vector.broadcast %jit3A_128 : i32 to vector<16xi32>
        %select_n3A_130 = arith.select %and3A_123, %add3A_127, %broadcast_in_dim3A_129 : vector<16xi1>, vector<16xi32>
        %add3A_131 = arith.addi %select_n3A_130, %mul3A_21 : vector<16xi32>
        tpu.vector_store_idx %arg11[%add3A_131], %broadcast_in_dim3A_0 masked %and3A_123 {add = true} : memref<4096xf32, #tpu.memory_space<vmem>>[vector<16xi32>], vector<16xf32>, vector<16xi1>
        %mul3A_132 = arith.constant 8 : i32
        %mul3A_133 = arith.muli %scan3A_28, %mul3A_132 : i32
        %add3A_134 = arith.constant 4 : i32
        %add3A_135 = arith.addi %mul3A_133, %add3A_134 : i32
        %mul3A_136 = arith.constant 16 : i32
        %mul3A_137 = arith.muli %add3A_135, %mul3A_136 : i32
        %get3A_138 = arith.index_cast %mul3A_137 : i32 to index
        %get3A_139 = tpu.vector_load %arg7[%get3A_138] {strides = array<i32>} : memref<2048xi32, #tpu.memory_space<vmem>>, vector<16xi32>,
        %get3A_140 = arith.index_cast %mul3A_137 : i32 to index
        %get3A_141 = tpu.vector_load %arg8[%get3A_140] {strides = array<i32>} : memref<2048xi32, #tpu.memory_space<vmem>>, vector<16xi32>,
        %get3A_142 = arith.index_cast %mul3A_137 : i32 to index
        %get3A_143 = tpu.vector_load %arg9[%get3A_142] {strides = array<i32>} : memref<2048xi32, #tpu.memory_space<vmem>>, vector<16xi32>,
        %lt3A_144 = arith.constant 32 : i32
        %lt3A_145 = vector.broadcast %lt3A_144 : i32 to vector<16xi32>
        %lt3A_146 = arith.cmpi slt, %get3A_139, %lt3A_145 : vector<16xi32>
        %lt3A_147 = arith.constant 32 : i32
        %lt3A_148 = vector.broadcast %lt3A_147 : i32 to vector<16xi32>
        %lt3A_149 = arith.cmpi slt, %get3A_141, %lt3A_148 : vector<16xi32>
        %and3A_150 = arith.andi %lt3A_146, %lt3A_149 : vector<16xi1>
        %mul3A_151 = arith.constant 8 : i32
        %mul3A_152 = vector.broadcast %mul3A_151 : i32 to vector<16xi32>
        %mul3A_153 = arith.muli %get3A_141, %mul3A_152 : vector<16xi32>
        %add3A_154 = arith.addi %mul3A_153, %get3A_143 : vector<16xi32>
        %jit3A_155 = arith.constant 0 : i32
        %broadcast_in_dim3A_156 = vector.broadcast %jit3A_155 : i32 to vector<16xi32>
        %select_n3A_157 = arith.select %and3A_150, %add3A_154, %broadcast_in_dim3A_156 : vector<16xi1>, vector<16xi32>
        %add3A_158 = arith.addi %select_n3A_157, %mul3A_21 : vector<16xi32>
        tpu.vector_store_idx %arg11[%add3A_158], %broadcast_in_dim3A_0 masked %and3A_150 {add = true} : memref<4096xf32, #tpu.memory_space<vmem>>[vector<16xi32>], vector<16xf32>, vector<16xi1>
        %mul3A_159 = arith.constant 8 : i32
        %mul3A_160 = arith.muli %scan3A_28, %mul3A_159 : i32
        %add3A_161 = arith.constant 5 : i32
        %add3A_162 = arith.addi %mul3A_160, %add3A_161 : i32
        %mul3A_163 = arith.constant 16 : i32
        %mul3A_164 = arith.muli %add3A_162, %mul3A_163 : i32
        %get3A_165 = arith.index_cast %mul3A_164 : i32 to index
        %get3A_166 = tpu.vector_load %arg7[%get3A_165] {strides = array<i32>} : memref<2048xi32, #tpu.memory_space<vmem>>, vector<16xi32>,
        %get3A_167 = arith.index_cast %mul3A_164 : i32 to index
        %get3A_168 = tpu.vector_load %arg8[%get3A_167] {strides = array<i32>} : memref<2048xi32, #tpu.memory_space<vmem>>, vector<16xi32>,
        %get3A_169 = arith.index_cast %mul3A_164 : i32 to index
        %get3A_170 = tpu.vector_load %arg9[%get3A_169] {strides = array<i32>} : memref<2048xi32, #tpu.memory_space<vmem>>, vector<16xi32>,
        %lt3A_171 = arith.constant 32 : i32
        %lt3A_172 = vector.broadcast %lt3A_171 : i32 to vector<16xi32>
        %lt3A_173 = arith.cmpi slt, %get3A_166, %lt3A_172 : vector<16xi32>
        %lt3A_174 = arith.constant 32 : i32
        %lt3A_175 = vector.broadcast %lt3A_174 : i32 to vector<16xi32>
        %lt3A_176 = arith.cmpi slt, %get3A_168, %lt3A_175 : vector<16xi32>
        %and3A_177 = arith.andi %lt3A_173, %lt3A_176 : vector<16xi1>
        %mul3A_178 = arith.constant 8 : i32
        %mul3A_179 = vector.broadcast %mul3A_178 : i32 to vector<16xi32>
        %mul3A_180 = arith.muli %get3A_168, %mul3A_179 : vector<16xi32>
        %add3A_181 = arith.addi %mul3A_180, %get3A_170 : vector<16xi32>
        %jit3A_182 = arith.constant 0 : i32
        %broadcast_in_dim3A_183 = vector.broadcast %jit3A_182 : i32 to vector<16xi32>
        %select_n3A_184 = arith.select %and3A_177, %add3A_181, %broadcast_in_dim3A_183 : vector<16xi1>, vector<16xi32>
        %add3A_185 = arith.addi %select_n3A_184, %mul3A_21 : vector<16xi32>
        tpu.vector_store_idx %arg11[%add3A_185], %broadcast_in_dim3A_0 masked %and3A_177 {add = true} : memref<4096xf32, #tpu.memory_space<vmem>>[vector<16xi32>], vector<16xf32>, vector<16xi1>
        %mul3A_186 = arith.constant 8 : i32
        %mul3A_187 = arith.muli %scan3A_28, %mul3A_186 : i32
        %add3A_188 = arith.constant 6 : i32
        %add3A_189 = arith.addi %mul3A_187, %add3A_188 : i32
        %mul3A_190 = arith.constant 16 : i32
        %mul3A_191 = arith.muli %add3A_189, %mul3A_190 : i32
        %get3A_192 = arith.index_cast %mul3A_191 : i32 to index
        %get3A_193 = tpu.vector_load %arg7[%get3A_192] {strides = array<i32>} : memref<2048xi32, #tpu.memory_space<vmem>>, vector<16xi32>,
        %get3A_194 = arith.index_cast %mul3A_191 : i32 to index
        %get3A_195 = tpu.vector_load %arg8[%get3A_194] {strides = array<i32>} : memref<2048xi32, #tpu.memory_space<vmem>>, vector<16xi32>,
        %get3A_196 = arith.index_cast %mul3A_191 : i32 to index
        %get3A_197 = tpu.vector_load %arg9[%get3A_196] {strides = array<i32>} : memref<2048xi32, #tpu.memory_space<vmem>>, vector<16xi32>,
        %lt3A_198 = arith.constant 32 : i32
        %lt3A_199 = vector.broadcast %lt3A_198 : i32 to vector<16xi32>
        %lt3A_200 = arith.cmpi slt, %get3A_193, %lt3A_199 : vector<16xi32>
        %lt3A_201 = arith.constant 32 : i32
        %lt3A_202 = vector.broadcast %lt3A_201 : i32 to vector<16xi32>
        %lt3A_203 = arith.cmpi slt, %get3A_195, %lt3A_202 : vector<16xi32>
        %and3A_204 = arith.andi %lt3A_200, %lt3A_203 : vector<16xi1>
        %mul3A_205 = arith.constant 8 : i32
        %mul3A_206 = vector.broadcast %mul3A_205 : i32 to vector<16xi32>
        %mul3A_207 = arith.muli %get3A_195, %mul3A_206 : vector<16xi32>
        %add3A_208 = arith.addi %mul3A_207, %get3A_197 : vector<16xi32>
        %jit3A_209 = arith.constant 0 : i32
        %broadcast_in_dim3A_210 = vector.broadcast %jit3A_209 : i32 to vector<16xi32>
        %select_n3A_211 = arith.select %and3A_204, %add3A_208, %broadcast_in_dim3A_210 : vector<16xi1>, vector<16xi32>
        %add3A_212 = arith.addi %select_n3A_211, %mul3A_21 : vector<16xi32>
        tpu.vector_store_idx %arg11[%add3A_212], %broadcast_in_dim3A_0 masked %and3A_204 {add = true} : memref<4096xf32, #tpu.memory_space<vmem>>[vector<16xi32>], vector<16xf32>, vector<16xi1>
        %mul3A_213 = arith.constant 8 : i32
        %mul3A_214 = arith.muli %scan3A_28, %mul3A_213 : i32
        %add3A_215 = arith.constant 7 : i32
        %add3A_216 = arith.addi %mul3A_214, %add3A_215 : i32
        %mul3A_217 = arith.constant 16 : i32
        %mul3A_218 = arith.muli %add3A_216, %mul3A_217 : i32
        %get3A_219 = arith.index_cast %mul3A_218 : i32 to index
        %get3A_220 = tpu.vector_load %arg7[%get3A_219] {strides = array<i32>} : memref<2048xi32, #tpu.memory_space<vmem>>, vector<16xi32>,
        %get3A_221 = arith.index_cast %mul3A_218 : i32 to index
        %get3A_222 = tpu.vector_load %arg8[%get3A_221] {strides = array<i32>} : memref<2048xi32, #tpu.memory_space<vmem>>, vector<16xi32>,
        %get3A_223 = arith.index_cast %mul3A_218 : i32 to index
        %get3A_224 = tpu.vector_load %arg9[%get3A_223] {strides = array<i32>} : memref<2048xi32, #tpu.memory_space<vmem>>, vector<16xi32>,
        %lt3A_225 = arith.constant 32 : i32
        %lt3A_226 = vector.broadcast %lt3A_225 : i32 to vector<16xi32>
        %lt3A_227 = arith.cmpi slt, %get3A_220, %lt3A_226 : vector<16xi32>
        %lt3A_228 = arith.constant 32 : i32
        %lt3A_229 = vector.broadcast %lt3A_228 : i32 to vector<16xi32>
        %lt3A_230 = arith.cmpi slt, %get3A_222, %lt3A_229 : vector<16xi32>
        %and3A_231 = arith.andi %lt3A_227, %lt3A_230 : vector<16xi1>
        %mul3A_232 = arith.constant 8 : i32
        %mul3A_233 = vector.broadcast %mul3A_232 : i32 to vector<16xi32>
        %mul3A_234 = arith.muli %get3A_222, %mul3A_233 : vector<16xi32>
        %add3A_235 = arith.addi %mul3A_234, %get3A_224 : vector<16xi32>
        %jit3A_236 = arith.constant 0 : i32
        %broadcast_in_dim3A_237 = vector.broadcast %jit3A_236 : i32 to vector<16xi32>
        %select_n3A_238 = arith.select %and3A_231, %add3A_235, %broadcast_in_dim3A_237 : vector<16xi1>, vector<16xi32>
        %add3A_239 = arith.addi %select_n3A_238, %mul3A_21 : vector<16xi32>
        tpu.vector_store_idx %arg11[%add3A_239], %broadcast_in_dim3A_0 masked %and3A_231 {add = true} : memref<4096xf32, #tpu.memory_space<vmem>>[vector<16xi32>], vector<16xf32>, vector<16xi1>
      }
      %scan3A_27 = arith.constant 16 : i32
      "tpu.region"() ({
        %run_scoped3A = tpu.sem_alloc : memref<!tpu.dma_semaphore, #tpu.memory_space<semaphore_mem>>
        tpu.enqueue_dma source(%arg11 : memref<4096xf32, #tpu.memory_space<vmem>>) target(%arg6 : memref<4096xf32, #tpu.memory_space<hbm>>) target_semaphore(%run_scoped3A : memref<!tpu.dma_semaphore, #tpu.memory_space<semaphore_mem>>)
        tpu.wait_dma2 semaphore(%run_scoped3A : memref<!tpu.dma_semaphore, #tpu.memory_space<semaphore_mem>>) src(%arg11 : memref<4096xf32, #tpu.memory_space<vmem>>) dst(%arg6 : memref<4096xf32, #tpu.memory_space<hbm>>)
        tpu.yield
      }) : () -> ()
    } else {
    }
    return
  }
}

</mosaic_0001>

<sc_bundles>
// kernel: _edge_hist.3.cloned.1.call-start
scs
__scs_entry_jumppad:
0x0: {  	(pc) =	sbr.rel $0x88, $3  }
0x1: {  	(tag) =	ssettag $0x0;
	lr =	simm.s32 $0x1  }
0x2: {  	[smem:$0x3F9E] =	sst lr;
	_ =	strace $0xD0000000  }
0x3: {  	_ = 	snop  }
0x4: {  	_ = 	snop  }
0x5: {  	_ = 	snop  }
0x6: {  	_ = 	snop  }
0x7: {  	_ = 	snop  }
__scs_overlays_trampoline_lowered:
0x8: {  	[smem:$0x3FAD] =	sst s0  }
0x9: {  	[smem:$0x3FAE] =	sst s1  }
0xa: {  	[smem:$0x3FAF] =	sst s2  }
0xb: {  	[smem:$0x3FB0] =	sst s3  }
0xc: {  	[smem:$0x3FB1] =	sst s4  }
0xd: {  	[smem:$0x3FB2] =	sst s5  }
0xe: {  	[smem:$0x3FB3] =	sst s6  }
0xf: {  	[smem:$0x3FB4] =	sst s7  }
0x10: {  	[smem:$0x3FB5] =	sst s8  }
0x11: {  	[smem:$0x3FB6] =	sst s9;
	s0 =	simm.s32 @!p0 $0x0  }
0x12: {  	s1 =	sld [smem:$0x3F9C];
	s0 =	simm.s32 @p0 $0x1  }
0x13: {  	[smem:$0x3FB7] =	sst s0;
	s0 =	simm.s32 @!p1 $0x0  }
0x14: {  	s2 =	sld [smem:$0x3F9B];
	s0 =	simm.s32 @p1 $0x1  }
0x15: {  	[smem:$0x3FB8] =	sst s0;
	s0 =	simm.s32 @!p2 $0x0  }
0x16: {  	s3 =	sld [smem:$0x3FDB];
	s0 =	simm.s32 @p2 $0x1  }
0x17: {  	s4 =	simm.s32 $0x1BF5;
	[smem:$0x3FBA] =	sst s0  }
0x18: {  	s0 =	sld [smem:$0x3F9D];
	_ =	swait.ge [sflag:s4], $0x0  }
0x19: {  	s7 =	sld [smem:$0x3F9E]  }
0x1a: {  	s8 =	sadd.s32 $0xFFFFE003, lr  }
0x1b: {  	s9 =	sadd.s32 $0xFFFFFEF7, lr;
	s5 =	simm.s32 $0xFFFFFFFF;
	p2 =	slt.u32 s8, $0xFFFFF086  }
0x1c: {  	p1 =	slt.u32 s9, $0xF7A;
	s5 =	simm.s32 @!p2 $0x0  }
0x1d: {  	s5 =	simm.s32 @p1 $0x1;
	p0 =	seq.s32 s7, s2  }
0x1e: {  	s7 =	smul.u32 @!p0 $0xF7A, s2;
	p2 =	seq.s32 @!p0 s5, $0x0  }
0x1f: {  	s9 =	smul.u32 $0xF7A, s1;
	s8 =	simm.s32 @!p0 $0x1BF5;
	p2 =	por !p2, p0  }
0x20: {  	[sflag:s8] =	ssyncset.s32 @!p0 $0xFFFFF086;
	s6 =	sadd.s32 @!p0 s3, s7;
	s7 =	simm.s32 @!p0 $0x108  }
0x21: {  	s3 =	sadd.s32 s3, s9;
	s6 =	sadd.s32 @!p0 $0x88, s6;
	s7 =	simm.s32 @p2 $0x1082  }
0x22: {  	[simem:s7], [sflag:s8] =	dma.local @!p0 [hbm:s6], $0xF7A  }
0x23: {  	s9 =	sor.u32 $0xD0000000, s2;
	s6 =	simm.s32 $0x108;
	_ =	swait.ge @!p0 [sflag:s8], $0x0  }
0x24: {  	s3 =	sadd.s32 $0x88, s3;
	s6 =	simm.s32 @!p1 $0x1082;
	[sflag:s4] =	ssyncset.s32 $0xFFFFF086  }
0x25: {  	[simem:s6], [sflag:s4] =	dma.local [hbm:s3], $0xF7A  }
0x26: {  	[smem:$0x3F9E] =	sst s1;
	(tag) =	ssettag s2;
	_ =	strace s9  }
0x27: {  	s1 =	sld [smem:$0x3FAE]  }
0x28: {  	s2 =	sld [smem:$0x3FAF]  }
0x29: {  	s4 =	sld [smem:$0x3FB1]  }
0x2a: {  	p0 =	seq.s32 s5, $0x0;
	s5 =	sld [smem:$0x3FB2]  }
0x2b: {  	s6 =	sld [smem:$0x3FB3]  }
0x2c: {  	s7 =	sld [smem:$0x3FB4]  }
0x2d: {  	s3 =	simm.s32 $0x108;
	s8 =	sld [smem:$0x3FB5]  }
0x2e: {  	s3 =	simm.s32 @!p0 $0x1082;
	s9 =	sld [smem:$0x3FB6]  }
0x2f: {  	lr =	sadd.s32 s0, s3;
	s0 =	sld [smem:$0x3FAD]  }
0x30: {  	s3 =	sld [smem:$0x3FB0]  }
0x31: {  	[smem:$0x3FB9] =	sst s10  }
0x32: {  	s10 =	sld [smem:$0x3FB7];
	_ =	sdelay $0x3  }
0x33: {  	p0 =	seq.s32 s10, $0x1;
	s10 =	sld [smem:$0x3FB9];
	_ =	sdelay $0x3  }
0x34: {  	[smem:$0x3FB9] =	sst s10  }
0x35: {  	s10 =	sld [smem:$0x3FB8];
	_ =	sdelay $0x3  }
0x36: {  	p1 =	seq.s32 s10, $0x1;
	s10 =	sld [smem:$0x3FB9];
	_ =	sdelay $0x3  }
0x37: {  	[smem:$0x3FB9] =	sst s10  }
0x38: {  	s10 =	sld [smem:$0x3FBA]  }
0x39: {  	_ = 	snop;
	(pc) =	sbr.ind lr, $3  }
0x3a: {  	_ = 	snop  }
0x3b: {  	_ = 	snop  }
0x3c: {  	p2 =	seq.s32 s10, $0x1;
	s10 =	sld [smem:$0x3FB9]  }
0x3d: {  	_ =	shalt  }
0x3e: {  	_ =	shalt  }
0x3f: {  	_ =	shalt  }
0x40: {  	_ =	shalt  }
0x41: {  	_ =	shalt  }
0x42: {  	_ =	shalt  }
0x43: {  	_ =	shalt  }
0x44: {  	_ =	shalt  }
0x45: {  	_ =	shalt  }
0x46: {  	_ =	shalt  }
0x47: {  	_ =	shalt  }
0x48: {  	_ =	shalt  }
0x49: {  	_ =	shalt  }
0x4a: {  	_ =	shalt  }
0x4b: {  	_ =	shalt  }
0x4c: {  	_ =	shalt  }
0x4d: {  	_ =	shalt  }
0x4e: {  	_ =	shalt  }
0x4f: {  	_ =	shalt  }
0x50: {  	_ =	shalt  }
0x51: {  	_ =	shalt  }
0x52: {  	_ =	shalt  }
0x53: {  	_ =	shalt  }
0x54: {  	_ =	shalt  }
0x55: {  	_ =	shalt  }
0x56: {  	_ =	shalt  }
0x57: {  	_ =	shalt  }
0x58: {  	_ =	shalt  }
0x59: {  	_ =	shalt  }
0x5a: {  	_ =	shalt  }
0x5b: {  	_ =	shalt  }
0x5c: {  	_ =	shalt  }
0x5d: {  	_ =	shalt  }
0x5e: {  	_ =	shalt  }
0x5f: {  	_ =	shalt  }
0x60: {  	_ =	shalt  }
0x61: {  	_ =	shalt  }
0x62: {  	_ =	shalt  }
0x63: {  	_ =	shalt  }
0x64: {  	_ =	shalt  }
0x65: {  	_ =	shalt  }
0x66: {  	_ =	shalt  }
0x67: {  	_ =	shalt  }
0x68: {  	_ =	shalt  }
0x69: {  	_ =	shalt  }
0x6a: {  	_ =	shalt  }
0x6b: {  	_ =	shalt  }
0x6c: {  	_ =	shalt  }
0x6d: {  	_ =	shalt  }
0x6e: {  	_ =	shalt  }
0x6f: {  	_ =	shalt  }
0x70: {  	_ =	shalt  }
0x71: {  	_ =	shalt  }
0x72: {  	_ =	shalt  }
0x73: {  	_ =	shalt  }
0x74: {  	_ =	shalt  }
0x75: {  	_ =	shalt  }
0x76: {  	_ =	shalt  }
0x77: {  	_ =	shalt  }
0x78: {  	_ =	shalt  }
0x79: {  	_ =	shalt  }
0x7a: {  	_ =	shalt  }
0x7b: {  	_ =	shalt  }
0x7c: {  	_ =	shalt  }
0x7d: {  	_ =	shalt  }
0x7e: {  	_ =	shalt  }
0x7f: {  	_ =	shalt  }
0x80: {  	_ =	shalt  }
0x81: {  	_ =	shalt  }
0x82: {  	_ =	shalt  }
0x83: {  	_ =	shalt  }
0x84: {  	_ =	shalt  }
0x85: {  	_ =	shalt  }
0x86: {  	_ =	shalt  }
0x87: {  	_ =	shalt  }
.Lfunc_end0:
.L_simem_size_0:
called_computation_lowered:
.L_overlay_start_0:
0x88: {  	s2 =	sld [smem:$0x3FD9]  }
0x89: {  	s3 =	sld [smem:$0x3FFE];
	_ =	sdelay $0x1  }
0x8a: {  	s1 =	srdreg.scid  }
0x8b: {  	s0 =	sand.u32 $0x1, s1  }
0x8c: {  	s15 =	sshll.u32 s0, $0xA;
	s2 =	sadd.s32 s3, s2  }
0x8d: {  	s2 =	sadd.s32 s2, s15  }
0x8e: {  	[smem:$0x3FC5] =	sst s2  }
0x8f: {  	_ = 	snop  }
0x90: {  	s2 =	sld [smem:$0x3FD0]  }
0x91: {  	s16 =	sld [smem:$0x3FC9]  }
0x92: {  	s4 =	sld [smem:$0x3FC8]  }
0x93: {  	s6 =	simm.s32 $0xA;
	s7 =	simm.s32 $0x10;
	s5 =	sld [smem:$0x3FC7]  }
0x94: {  	[smem:s7], [sflag:s6] =	dma.local [hbm:s2], $0x1  }
0x95: {  	_ =	swait.eq [sflag:s6], $0x1  }
0x96: {  	[sflag:s6] =	ssyncset.done $0x0  }
0x97: {  	s17 =	sld [smem:$0x10];
	[sflag:s6] =	ssyncadd.s32 $0xFFFFFFFF  }
0x98: {  	s18 =	sld [smem:$0x11];
	(tm) =	ssettm $0x1  }
0x99: {  	s19 =	sld [smem:$0x3FFB];
	_ =	sdelay $0x3  }
0x9a: {  	_ =	strace s19  }
0x9b: {  	s7 =	sld [smem:$0x3FFC];
	_ =	sdelay $0x3  }
0x9c: {  	_ =	strace s7  }
0x9d: {  	s7 =	sld [smem:$0x3FFD];
	_ =	sdelay $0x3  }
0x9e: {  	_ =	strace s7  }
0x9f: {  	_ =	strace $0x8FFFFFFF  }
0xa0: {  	s20 =	sld [smem:$0x3FDB];
	_ =	sdelay $0x1  }
0xa1: {  	s8 =	simm.s32 $_scs_section_size  }
0xa2: {  	s9 =	simm.s32 $_size__tile_overlayer_lowered;
	s10 =	simm.s32 $_tile_overlayer_lowered  }
0xa3: {  	s23 =	simm.s32 $0x1BFF;
	s22 =	sshll.u32 s10, $0x1;
	s7 =	sadd.s32 s8, s20  }
0xa4: {  	s11 =	simm.s32 $0x0;
	s21 =	sshll.u32 s9, $0x1;
	s9 =	sadd.s32 s22, s7  }
0xa5: {  	[timem:s11], [sflag:s23] =	dma.local [hbm:s9], s21  }
0xa6: {  	_ =	swait.ge [sflag:s23], s21  }
0xa7: {  	s8 =	ssub.s32 $0x0, s21;
	[sflag:s23] =	ssyncset.done $0x0  }
0xa8: {  	[sflag:s23] =	ssyncadd.s32 s8;
	_ =	sdelay $0x1  }
0xa9: {  	s24 =	simm.s32 $0x1B8B  }
0xaa: {  	_ =	swait.ge [sflag:s24], $0x1  }
0xab: {  	[sflag:s24] =	ssyncset.done $0x0  }
0xac: {  	s25 =	simm.s32 $0x1B8E;
	[sflag:s24] =	ssyncadd.s32 $0xFFFFFFFF  }
0xad: {  	s26 =	simm.s32 $execute0_lowered;
	[smem:$0x3FD2] =	sst s25  }
0xae: {  	s8 =	sshll.u32 s26, $0x1;
	_ =	strace $0x80000046;
	[dreg:$0x1] =	wrdreg $0xFFFFFFFF  }
0xaf: {  	s28 =	simm.s32 $_size_execute0_lowered;
	s7 =	sadd.s32 s7, s8;
	[dreg:$0x0] =	wrdreg $0x0  }
0xb0: {  	s8 =	sshll.u32 s28, $0x1;
	[dreg:$0x2] =	wrdreg s7  }
0xb1: {  	[dreg:$0x3] =	wrdreg s8  }
0xb2: {  	[dreg:$0x4] =	wrdreg $0xC0  }
0xb3: {  	_ =	task [dreg:s11], $0x5FFFF  }
0xb4: {  	[dreg:$0x1] =	wrdreg $0xFFFFFFFF  }
0xb5: {  	[dreg:$0x0] =	wrdreg $0x60  }
0xb6: {  	[dreg:$0x2] =	wrdreg s16  }
0xb7: {  	[dreg:$0x3] =	wrdreg s4  }
0xb8: {  	[dreg:$0x4] =	wrdreg s5  }
0xb9: {  	[dreg:$0x5] =	wrdreg s17  }
0xba: {  	[dreg:$0x6] =	wrdreg s18  }
0xbb: {  	[dreg:$0x7] =	wrdreg $0x9  }
0xbc: {  	_ =	task.clear_ibuf [dreg:s11], $0x8FFFF;
	_ =	strace $0x90000046  }
0xbd: {  	s29 =	simm.s32 $0x9;
	_ =	strace $0x80000048  }
0xbe: {  	_ =	swait.ge [sflag:s29], $0x1  }
0xbf: {  	[sflag:s29] =	ssyncadd.s32 $0xFFFFFFFF  }
0xc0: {  	_ =	strace $0x90000048  }
0xc1: {  	_ =	sfence  }
0xc2: {  	s30 =	sld [smem:$0x0];
	_ =	sdelay $0x2  }
0xc3: {  	s31 =	sshll.u32 s1, $0xD;
	s1 =	sshrl.u32 s1, $0x2  }
0xc4: {  	s3 =	sand.u32 $0x4000, s31;
	s1 =	sadd.s32 s1, s30  }
0xc5: {  	s0 =	sor.u32 s3, s0;
	s1 =	sshll.u32 s1, $0x11  }
0xc6: {  	s0 =	sor.u32 s1, s0  }
0xc7: {  	s0 =	sadd.s32 $0x8F2B, s0  }
0xc8: {  	[sflag:s0] =	ssyncadd.remote.s32 $0x1  }
0xc9: {  	_ =	sfence.sel $0xFFFF  }
0xca: {  	[dreg:$0x0] =	wrdreg $0xFFFFFFFF;
	(pc) =	sbr.abs _section_cstart, $3  }
0xcb: {  	[dreg:$0x1] =	wrdreg $0xFFFFFFFF  }
0xcc: {  	_ =	task.clear_ibuf [dreg:s11], $0x2FFFF;
	_ =	strace $0x9FFFFFFF  }
0xcd: {  	(tm) =	ssettm $0x7FFFFFFF  }
tec
execute0_lowered:
.L_overlay_start_1:
0x0: {  	(tag) =	ssettag $0x1  }
0x1: {  	s1 =	rddreg [dreg:$0x0]  }
0x2: {  	s2 =	rddreg [dreg:$0x1]  }
0x3: {  	s3 =	rddreg [dreg:$0x2]  }
0x4: {  	s4 =	rddreg [dreg:$0x3]  }
0x5: {  	s6 =	rddreg [dreg:$0x4]  }
0x6: {  	s7 =	srdreg.scid;
	s0 =	rddreg [dreg:$0x5]  }
0x7: {  	s5 =	stileid.u32;
	_ =	strace $0x80000047;
	s10 =	simm.s32 $0x1  }
0x8: {  	s11 =	simm.s32 $0x2;
	s12 =	simm.s32 $0x1800;
	s13 =	simm.s32 $0x4  }
0x9: {  	s14 =	simm.s32 $0x1000;
	s15 =	simm.s32 $0x3;
	s16 =	simm.s32 $0x5800  }
.Ltmp0:
0xa: {  	s17 =	simm.s32 $0x0;
	s7 =	sand.u32 $0x1, s7;
	(pc) =	sbr.rel .LBB2_1-.Ltmp0, $4  }
0xb: {  	p0 =	seq.s32 s5, $0x0;
	s8 =	ssub.s32 $0x2, s7;
	p1 =	seq.s32 s7, $0x1  }
0xc: {  	s31 =	sor.u32 s5, s7;
	s9 =	sshrl.u32 s8, $0x1;
	p0 =	por !p0, !p1  }
0xd: {  	v0 =	vimm.f32 $0.0e+00;
	v3 =	vlaneseq.u32;
	p1 =	sne.s32 s31, $0x0;
	s8 =	ssub.s32 s8, s9;
	p0 =	por !p0, !p0  }
0xe: {  	v2 =	vimm.f32 $1.000000000e+00;
	v1 =	vmul.u32 $0x400, v3;
	v3 =	vmul.u32 $0x100, v3;
	s9 =	simm.s32 $0x800;
	s7 =	smax.u32 s8, $0x1;
	s8 =	simm.s32 $0x0  }
.LBB2_13:
0xf: {  	s17 =	sadd.s32 $0x1, s17  }
0x10: {  	p2 =	sne.s32 s17, s7  }
.Ltmp1:
0x11: {  	_ = 	snop;
	(pc) =	sbr.rel @!p2 .LBB2_14-.Ltmp1, $1  }
0x12: {  	_ =	sdelay $0x3  }
.LBB2_1:
.Ltmp2:
0x13: {  	(pc) =	sbr.rel @p1 .LBB2_7-.Ltmp2, $1  }
0x14: {  	_ =	sdelay $0x3  }
0x15: {  	s18 =	simm.s32 $0x0  }
0x16: {  	[tilespmem:s18], [sflag:$0x1] =	stream.linear.gather [hbm4b:s1+s18], $0x800, $0x38;
	[tilespmem:$0x6800] =	vst v63  }
0x17: {  	_ = 	snop  }
0x18: {  	[tilespmem:s9], [sflag:$0x2] =	stream.linear.gather [hbm4b:s2+s18], $0x800, $0x38;
	[tilespmem:$0x6800] =	vst v63  }
0x19: {  	s19 =	simm.s32 $0x200;
	s18 =	simm.s32 $0x0  }
.LBB2_3:
0x1a: {  	p2 =	sne.s32 s19, $0xFE00;
	[tilespmem:s18+$0x1870] =	vst v0  }
0x1b: {  	[tilespmem:s18+$0x1800] =	vst v0  }
0x1c: {  	[tilespmem:s18+$0x1810] =	vst v0  }
.Ltmp3:
0x1d: {  	[tilespmem:s18+$0x1820] =	vst v0;
	(pc) =	sbr.rel @p2 .LBB2_3-.Ltmp3, $4  }
0x1e: {  	[tilespmem:s18+$0x1830] =	vst v0  }
0x1f: {  	[tilespmem:s18+$0x1840] =	vst v0  }
0x20: {  	[tilespmem:s18+$0x1850] =	vst v0  }
0x21: {  	[tilespmem:s18+$0x1860] =	vst v0;
	s18 =	sshra.s32 s19, $0x2;
	s19 =	sadd.s32 $0x200, s19  }
0x22: {  	[tilespmem:s18+$0x1870] =	vst v0  }
0x23: {  	[tilespmem:s18+$0x1800] =	vst v0  }
0x24: {  	[tilespmem:s18+$0x1810] =	vst v0  }
0x25: {  	[tilespmem:s18+$0x1820] =	vst v0  }
0x26: {  	[tilespmem:s18+$0x1830] =	vst v0  }
0x27: {  	[tilespmem:s18+$0x1840] =	vst v0  }
0x28: {  	[tilespmem:s18+$0x1850] =	vst v0  }
0x29: {  	[tilespmem:s18+$0x1860] =	vst v0  }
0x2a: {  	_ =	swait.ge [sflag:s10], $0x800  }
0x2b: {  	[sflag:s10] =	ssyncset.done $0x0  }
0x2c: {  	[sflag:s10] =	ssyncadd.s32 $0xFFFFF800  }
0x2d: {  	_ =	swait.ge [sflag:s11], $0x800  }
0x2e: {  	[sflag:s11] =	ssyncset.done $0x0  }
0x2f: {  	s18 =	simm.s32 $0x0;
	[sflag:s11] =	ssyncadd.s32 $0xFFFFF800  }
.LBB2_5:
0x30: {  	s19 =	sshra.s32 s18, $0x2  }
0x31: {  	v4 =	vld [tilespmem:s19+$0x800]  }
0x32: {  	v5 =	vld [tilespmem:s19+$0x0];
	_ =	sdelay $0x3  }
0x33: {  	v6 =	vshll.u32 v4, $0x5  }
0x34: {  	vm0 =	vlt.s32 v5, $0x20;
	vm1 =	vlt.s32 v4, $0x20;
	v4 =	vadd.s32 v6, v5  }
0x35: {  	vm0 =	vmand vm0, vm1;
	v4 =	vadd.s32 v1, v4  }
0x36: {  	v4 =	vsel vm0, v4, v1;
	_ =	sdelay $0x4  }
0x37: {  	[tilespmem:v4+s12+$0x0] =	vst.idx.add.f32.msk vm0, v2  }
0x38: {  	v4 =	vld [tilespmem:s19+$0x810]  }
0x39: {  	v5 =	vld [tilespmem:s19+$0x10];
	_ =	sdelay $0x3  }
0x3a: {  	v57 =	vshll.u32 v4, $0x5  }
0x3b: {  	vm14 =	vlt.s32 v5, $0x20;
	vm15 =	vlt.s32 v4, $0x20;
	v4 =	vadd.s32 v57, v5  }
0x3c: {  	vm0 =	vmand vm14, vm15;
	v4 =	vadd.s32 v1, v4  }
0x3d: {  	v4 =	vsel vm0, v4, v1;
	_ =	sdelay $0x4  }
0x3e: {  	[tilespmem:v4+s12+$0x0] =	vst.idx.add.f32.msk vm0, v2  }
0x3f: {  	v4 =	vld [tilespmem:s19+$0x820]  }
0x40: {  	v5 =	vld [tilespmem:s19+$0x20];
	_ =	sdelay $0x3  }
0x41: {  	v58 =	vshll.u32 v4, $0x5  }
0x42: {  	vm4 =	vlt.s32 v5, $0x20;
	vm5 =	vlt.s32 v4, $0x20;
	v4 =	vadd.s32 v58, v5  }
0x43: {  	vm0 =	vmand vm4, vm5;
	v4 =	vadd.s32 v1, v4  }
0x44: {  	v4 =	vsel vm0, v4, v1;
	_ =	sdelay $0x4  }
0x45: {  	[tilespmem:v4+s12+$0x0] =	vst.idx.add.f32.msk vm0, v2  }
0x46: {  	v4 =	vld [tilespmem:s19+$0x830]  }
0x47: {  	v5 =	vld [tilespmem:s19+$0x30];
	_ =	sdelay $0x3  }
0x48: {  	v59 =	vshll.u32 v4, $0x5  }
0x49: {  	vm6 =	vlt.s32 v5, $0x20;
	vm7 =	vlt.s32 v4, $0x20;
	v4 =	vadd.s32 v59, v5  }
0x4a: {  	vm0 =	vmand vm6, vm7;
	v4 =	vadd.s32 v1, v4  }
0x4b: {  	v4 =	vsel vm0, v4, v1;
	_ =	sdelay $0x4  }
0x4c: {  	[tilespmem:v4+s12+$0x0] =	vst.idx.add.f32.msk vm0, v2  }
0x4d: {  	v4 =	vld [tilespmem:s19+$0x840]  }
0x4e: {  	v5 =	vld [tilespmem:s19+$0x40];
	_ =	sdelay $0x3  }
0x4f: {  	v60 =	vshll.u32 v4, $0x5  }
0x50: {  	vm8 =	vlt.s32 v5, $0x20;
	vm9 =	vlt.s32 v4, $0x20;
	v4 =	vadd.s32 v60, v5  }
0x51: {  	vm0 =	vmand vm8, vm9;
	v4 =	vadd.s32 v1, v4  }
0x52: {  	v4 =	vsel vm0, v4, v1;
	_ =	sdelay $0x4  }
0x53: {  	[tilespmem:v4+s12+$0x0] =	vst.idx.add.f32.msk vm0, v2  }
0x54: {  	v4 =	vld [tilespmem:s19+$0x850]  }
0x55: {  	v5 =	vld [tilespmem:s19+$0x50];
	_ =	sdelay $0x3  }
0x56: {  	v61 =	vshll.u32 v4, $0x5  }
0x57: {  	vm10 =	vlt.s32 v5, $0x20;
	vm11 =	vlt.s32 v4, $0x20;
	v4 =	vadd.s32 v61, v5  }
0x58: {  	vm0 =	vmand vm10, vm11;
	v4 =	vadd.s32 v1, v4  }
0x59: {  	v4 =	vsel vm0, v4, v1;
	_ =	sdelay $0x4  }
0x5a: {  	[tilespmem:v4+s12+$0x0] =	vst.idx.add.f32.msk vm0, v2  }
0x5b: {  	v4 =	vld [tilespmem:s19+$0x860]  }
0x5c: {  	v5 =	vld [tilespmem:s19+$0x60];
	_ =	sdelay $0x3  }
0x5d: {  	v62 =	vshll.u32 v4, $0x5  }
0x5e: {  	vm12 =	vlt.s32 v5, $0x20;
	vm13 =	vlt.s32 v4, $0x20;
	v4 =	vadd.s32 v62, v5  }
0x5f: {  	vm0 =	vmand vm12, vm13;
	v4 =	vadd.s32 v1, v4  }
0x60: {  	v4 =	vsel vm0, v4, v1;
	_ =	sdelay $0x4  }
0x61: {  	[tilespmem:v4+s12+$0x0] =	vst.idx.add.f32.msk vm0, v2  }
0x62: {  	v4 =	vld [tilespmem:s19+$0x870]  }
0x63: {  	v5 =	vld [tilespmem:s19+$0x70];
	_ =	sdelay $0x3  }
0x64: {  	v63 =	vshll.u32 v4, $0x5  }
0x65: {  	vm14 =	vlt.s32 v4, $0x20;
	vm15 =	vlt.s32 v5, $0x20;
	v4 =	vadd.s32 v63, v5  }
0x66: {  	vm0 =	vmand vm15, vm14;
	v4 =	vadd.s32 v1, v4  }
0x67: {  	p2 =	sne.s32 s18, $0x1E00;
	v4 =	vsel vm0, v4, v1  }
.Ltmp4:
0x68: {  	_ = 	snop;
	(pc) =	sbr.rel @p2 .LBB2_5-.Ltmp4, $2  }
0x69: {  	_ =	sdelay $0x2  }
0x6a: {  	s18 =	sadd.s32 $0x200, s18;
	[tilespmem:v4+s12+$0x0] =	vst.idx.add.f32.msk vm0, v2  }
0x6b: {  	[hbm4b:s4+s8] =	stream.linear.scatter [tilespmem:s12], [sflag:$0x4], $0x4000, $0x38;
	[tilespmem:$0x6800] =	vst v63  }
0x6c: {  	_ =	swait.ge [sflag:s13], $0x4000  }
0x6d: {  	[sflag:s13] =	ssyncset.done $0x0  }
0x6e: {  	[sflag:s13] =	ssyncadd.s32 $0xFFFFC000  }
.LBB2_7:
.Ltmp5:
0x6f: {  	(pc) =	sbr.rel @!p0 .LBB2_13-.Ltmp5, $1  }
0x70: {  	_ =	sdelay $0x3  }
0x71: {  	s18 =	simm.s32 $0x0  }
0x72: {  	[tilespmem:s18], [sflag:$0x1] =	stream.linear.gather [hbm4b:s1+s18], $0x800, $0x38;
	[tilespmem:$0x6800] =	vst v63  }
0x73: {  	_ = 	snop  }
0x74: {  	[tilespmem:s9], [sflag:$0x2] =	stream.linear.gather [hbm4b:s2+s18], $0x800, $0x38;
	[tilespmem:$0x6800] =	vst v63  }
0x75: {  	_ = 	snop  }
0x76: {  	[tilespmem:s14], [sflag:$0x3] =	stream.linear.gather [hbm4b:s3+s18], $0x800, $0x38;
	[tilespmem:$0x6800] =	vst v63  }
0x77: {  	s19 =	simm.s32 $0x200;
	s18 =	simm.s32 $0x0  }
.LBB2_9:
0x78: {  	p2 =	sne.s32 s19, $0x3E00;
	[tilespmem:s18+$0x5870] =	vst v0  }
0x79: {  	[tilespmem:s18+$0x5800] =	vst v0  }
0x7a: {  	[tilespmem:s18+$0x5810] =	vst v0  }
.Ltmp6:
0x7b: {  	[tilespmem:s18+$0x5820] =	vst v0;
	(pc) =	sbr.rel @p2 .LBB2_9-.Ltmp6, $4  }
0x7c: {  	[tilespmem:s18+$0x5830] =	vst v0  }
0x7d: {  	[tilespmem:s18+$0x5840] =	vst v0  }
0x7e: {  	[tilespmem:s18+$0x5850] =	vst v0  }
0x7f: {  	[tilespmem:s18+$0x5860] =	vst v0;
	s18 =	sshra.s32 s19, $0x2;
	s19 =	sadd.s32 $0x200, s19  }
0x80: {  	[tilespmem:s18+$0x5870] =	vst v0  }
0x81: {  	[tilespmem:s18+$0x5800] =	vst v0  }
0x82: {  	[tilespmem:s18+$0x5810] =	vst v0  }
0x83: {  	[tilespmem:s18+$0x5820] =	vst v0  }
0x84: {  	[tilespmem:s18+$0x5830] =	vst v0  }
0x85: {  	[tilespmem:s18+$0x5840] =	vst v0  }
0x86: {  	[tilespmem:s18+$0x5850] =	vst v0  }
0x87: {  	[tilespmem:s18+$0x5860] =	vst v0  }
0x88: {  	_ =	swait.ge [sflag:s10], $0x800  }
0x89: {  	[sflag:s10] =	ssyncset.done $0x0  }
0x8a: {  	[sflag:s10] =	ssyncadd.s32 $0xFFFFF800  }
0x8b: {  	_ =	swait.ge [sflag:s11], $0x800  }
0x8c: {  	[sflag:s11] =	ssyncset.done $0x0  }
0x8d: {  	[sflag:s11] =	ssyncadd.s32 $0xFFFFF800  }
0x8e: {  	_ =	swait.ge [sflag:s15], $0x800  }
0x8f: {  	[sflag:s15] =	ssyncset.done $0x0  }
0x90: {  	s18 =	simm.s32 $0x0;
	[sflag:s15] =	ssyncadd.s32 $0xFFFFF800  }
.LBB2_11:
0x91: {  	s19 =	sshra.s32 s18, $0x2  }
0x92: {  	v4 =	vld [tilespmem:s19+$0x0]  }
0x93: {  	v5 =	vld [tilespmem:s19+$0x800]  }
0x94: {  	v6 =	vld [tilespmem:s19+$0x1000];
	_ =	sdelay $0x3  }
0x95: {  	v7 =	vshll.u32 v5, $0x3  }
0x96: {  	vm0 =	vlt.s32 v4, $0x20;
	vm1 =	vlt.s32 v5, $0x20;
	v4 =	vadd.s32 v7, v6  }
0x97: {  	vm0 =	vmand vm0, vm1;
	v4 =	vadd.s32 v3, v4  }
0x98: {  	v4 =	vsel vm0, v4, v3;
	_ =	sdelay $0x4  }
0x99: {  	[tilespmem:v4+s16+$0x0] =	vst.idx.add.f32.msk vm0, v2  }
0x9a: {  	v4 =	vld [tilespmem:s19+$0x10]  }
0x9b: {  	v5 =	vld [tilespmem:s19+$0x810]  }
0x9c: {  	v50 =	vld [tilespmem:s19+$0x1010];
	_ =	sdelay $0x3  }
0x9d: {  	v51 =	vshll.u32 v5, $0x3  }
0x9e: {  	vm14 =	vlt.s32 v4, $0x20;
	vm15 =	vlt.s32 v5, $0x20;
	v4 =	vadd.s32 v51, v50  }
0x9f: {  	vm0 =	vmand vm14, vm15;
	v4 =	vadd.s32 v3, v4  }
0xa0: {  	v4 =	vsel vm0, v4, v3;
	_ =	sdelay $0x4  }
0xa1: {  	[tilespmem:v4+s16+$0x0] =	vst.idx.add.f32.msk vm0, v2  }
0xa2: {  	v4 =	vld [tilespmem:s19+$0x20]  }
0xa3: {  	v5 =	vld [tilespmem:s19+$0x820]  }
0xa4: {  	v52 =	vld [tilespmem:s19+$0x1020];
	_ =	sdelay $0x3  }
0xa5: {  	v53 =	vshll.u32 v5, $0x3  }
0xa6: {  	vm4 =	vlt.s32 v4, $0x20;
	vm5 =	vlt.s32 v5, $0x20;
	v4 =	vadd.s32 v53, v52  }
0xa7: {  	vm0 =	vmand vm4, vm5;
	v4 =	vadd.s32 v3, v4  }
0xa8: {  	v4 =	vsel vm0, v4, v3;
	_ =	sdelay $0x4  }
0xa9: {  	[tilespmem:v4+s16+$0x0] =	vst.idx.add.f32.msk vm0, v2  }
0xaa: {  	v4 =	vld [tilespmem:s19+$0x30]  }
0xab: {  	v5 =	vld [tilespmem:s19+$0x830]  }
0xac: {  	v54 =	vld [tilespmem:s19+$0x1030];
	_ =	sdelay $0x3  }
0xad: {  	v55 =	vshll.u32 v5, $0x3  }
0xae: {  	vm6 =	vlt.s32 v4, $0x20;
	vm7 =	vlt.s32 v5, $0x20;
	v4 =	vadd.s32 v55, v54  }
0xaf: {  	vm0 =	vmand vm6, vm7;
	v4 =	vadd.s32 v3, v4  }
0xb0: {  	v4 =	vsel vm0, v4, v3;
	_ =	sdelay $0x4  }
0xb1: {  	[tilespmem:v4+s16+$0x0] =	vst.idx.add.f32.msk vm0, v2  }
0xb2: {  	v4 =	vld [tilespmem:s19+$0x40]  }
0xb3: {  	v5 =	vld [tilespmem:s19+$0x840]  }
0xb4: {  	v56 =	vld [tilespmem:s19+$0x1040];
	_ =	sdelay $0x3  }
0xb5: {  	v57 =	vshll.u32 v5, $0x3  }
0xb6: {  	vm8 =	vlt.s32 v4, $0x20;
	vm9 =	vlt.s32 v5, $0x20;
	v4 =	vadd.s32 v57, v56  }
0xb7: {  	vm0 =	vmand vm8, vm9;
	v4 =	vadd.s32 v3, v4  }
0xb8: {  	v4 =	vsel vm0, v4, v3;
	_ =	sdelay $0x4  }
0xb9: {  	[tilespmem:v4+s16+$0x0] =	vst.idx.add.f32.msk vm0, v2  }
0xba: {  	v4 =	vld [tilespmem:s19+$0x50]  }
0xbb: {  	v5 =	vld [tilespmem:s19+$0x850]  }
0xbc: {  	v58 =	vld [tilespmem:s19+$0x1050];
	_ =	sdelay $0x3  }
0xbd: {  	v59 =	vshll.u32 v5, $0x3  }
0xbe: {  	vm10 =	vlt.s32 v4, $0x20;
	vm11 =	vlt.s32 v5, $0x20;
	v4 =	vadd.s32 v59, v58  }
0xbf: {  	vm0 =	vmand vm10, vm11;
	v4 =	vadd.s32 v3, v4  }
0xc0: {  	v4 =	vsel vm0, v4, v3;
	_ =	sdelay $0x4  }
0xc1: {  	[tilespmem:v4+s16+$0x0] =	vst.idx.add.f32.msk vm0, v2  }
0xc2: {  	v4 =	vld [tilespmem:s19+$0x60]  }
0xc3: {  	v5 =	vld [tilespmem:s19+$0x860]  }
0xc4: {  	v60 =	vld [tilespmem:s19+$0x1060];
	_ =	sdelay $0x3  }
0xc5: {  	v61 =	vshll.u32 v5, $0x3  }
0xc6: {  	vm12 =	vlt.s32 v4, $0x20;
	vm13 =	vlt.s32 v5, $0x20;
	v4 =	vadd.s32 v61, v60  }
0xc7: {  	vm0 =	vmand vm12, vm13;
	v4 =	vadd.s32 v3, v4  }
0xc8: {  	v4 =	vsel vm0, v4, v3;
	_ =	sdelay $0x4  }
0xc9: {  	[tilespmem:v4+s16+$0x0] =	vst.idx.add.f32.msk vm0, v2  }
0xca: {  	v4 =	vld [tilespmem:s19+$0x70]  }
0xcb: {  	v5 =	vld [tilespmem:s19+$0x870]  }
0xcc: {  	v62 =	vld [tilespmem:s19+$0x1070];
	_ =	sdelay $0x3  }
0xcd: {  	v63 =	vshll.u32 v5, $0x3  }
0xce: {  	vm14 =	vlt.s32 v4, $0x20;
	vm15 =	vlt.s32 v5, $0x20;
	v4 =	vadd.s32 v63, v62  }
0xcf: {  	vm0 =	vmand vm14, vm15;
	v4 =	vadd.s32 v3, v4  }
0xd0: {  	p2 =	sne.s32 s18, $0x1E00;
	v4 =	vsel vm0, v4, v3  }
.Ltmp7:
0xd1: {  	_ = 	snop;
	(pc) =	sbr.rel @p2 .LBB2_11-.Ltmp7, $2  }
0xd2: {  	_ =	sdelay $0x2  }
0xd3: {  	s18 =	sadd.s32 $0x200, s18;
	[tilespmem:v4+s16+$0x0] =	vst.idx.add.f32.msk vm0, v2  }
.Ltmp8:
0xd4: {  	(pc) =	sbr.rel .LBB2_13-.Ltmp8, $4  }
0xd5: {  	[hbm4b:s6+s8] =	stream.linear.scatter [tilespmem:s16], [sflag:$0x4], $0x1000, $0x38;
	[tilespmem:$0x6800] =	vst v63  }
0xd6: {  	_ =	swait.ge [sflag:s13], $0x1000  }
0xd7: {  	[sflag:s13] =	ssyncset.done $0x0  }
0xd8: {  	[sflag:s13] =	ssyncadd.s32 $0xFFFFF000  }
.LBB2_14:
0xd9: {  	_ =	sfence.sel $0x180000  }
0xda: {  	[bflag:$0x0] =	sbarrier.arrive $0xFFFF  }
0xdb: {  	p0 =	sne.s32 s5, $0x0;
	_ =	strace $0x90000047  }
0xdc: {  	s0 =	sadd.s32 @!p0 $0x100000, s0;
	[bflag:$0x2] =	sbarrier.arrive $0xFFFF  }
0xdd: {  	[sflag:s0] =	ssyncadd.tile.s32 @!p0 $0x1;
	_ =	shalt  }
.Lfunc_end2:
_tile_overlayer_lowered:
.L_overlay_start_2:
0xde: {  	(tag) =	ssettag $0x2  }
0xdf: {  	s0 =	rddreg [dreg:$0x0];
	s2 =	stileid.u32  }
0xe0: {  	s1 =	rddreg [dreg:$0x1];
	p0 =	sne.s32 s2, $0x0  }
0xe1: {  	s3 =	rddreg [dreg:$0x2];
	[bflag:$0x3] =	sbarrier.arrive $0xFFFF;
	s2 =	simm.s32 @!p0 $0x1C04  }
0xe2: {  	[timem:s3], [sflag:s2] =	dma.local @!p0 [hbm:s0], s1  }
0xe3: {  	s0 =	simm.s32 @!p0 $0x4  }
0xe4: {  	_ =	swait.ge @!p0 [sflag:s0], s1  }
0xe5: {  	s1 =	ssub.s32 @!p0 $0x0, s1;
	[sflag:s0] =	ssyncset.done @!p0 $0x0  }
0xe6: {  	[sflag:s0] =	ssyncadd.s32 @!p0 s1  }
0xe7: {  	[bflag:$0x3] =	sbarrier.arrive $0xFFFF  }
0xe8: {  	_ =	shalt  }

</sc_bundles>
